<compile_context>
chip_gen: v7x
topology: tpu7x:2x2x1
jax: 0.10.2.dev20260603
libtpu: 0.0.44.dev20260713+nightly
codegen_flags: <defaults>
</compile_context>

<pallas_src>
import functools

import jax
import jax.numpy as jnp
from jax import lax
from jax.experimental import pallas as pl
from jax.experimental.pallas import tpu as pltpu
from jax.experimental.pallas import tpu_sc as plsc

N = 10000
E = 320000
F_IN = 128
H = 128
C = 47

NC = 2
NS = 16
K = 128

W_E = ((E // (NC * NS) + K - 1) // K) * K
E_PAD = W_E * NC * NS
N_ACC = 10112
TRASH = N


def _make_segsum(Hf):
    mesh = plsc.VectorSubcoreMesh(core_axis_name="c", subcore_axis_name="s")

    @functools.partial(
        pl.kernel,
        out_type=jax.ShapeDtypeStruct((NC * N_ACC, Hf), jnp.float32),
        mesh=mesh,
        scratch_types=[
            pltpu.VMEM((K,), jnp.int32),
            pltpu.VMEM((K,), jnp.int32),
            pltpu.VMEM((K, Hf), jnp.float32),
            pltpu.VMEM_SHARED((N_ACC, Hf), jnp.float32),
            pltpu.SemaphoreType.DMA,
        ],
        compiler_params=pltpu.CompilerParams(use_tc_tiling_on_sc=False),
    )
    def segsum(y_hbm, src_hbm, dst_hbm, zeros_hbm, out_hbm,
               src_v, dst_v, rows_v, acc_sh, sem):
        c = lax.axis_index("c")
        s = lax.axis_index("s")
        wid = c * NS + s
        zr = N_ACC // NS
        pltpu.sync_copy(zeros_hbm.at[pl.ds(s * zr, zr)],
                        acc_sh.at[pl.ds(s * zr, zr)])
        plsc.subcore_barrier()
        base = wid * W_E

        def body(j, carry):
            off = base + j * K
            pltpu.sync_copy(src_hbm.at[pl.ds(off, K)], src_v)
            pltpu.sync_copy(dst_hbm.at[pl.ds(off, K)], dst_v)
            pltpu.async_copy(y_hbm.at[src_v], rows_v, sem).wait()
            pltpu.sync_copy(rows_v, acc_sh.at[dst_v], add=True)
            return carry

        lax.fori_loop(0, W_E // K, body, 0)
        plsc.subcore_barrier()
        nr = N_ACC // NS
        pltpu.sync_copy(acc_sh.at[pl.ds(s * nr, nr)],
                        out_hbm.at[pl.ds(c * N_ACC + s * nr, nr)])

    return segsum


_segsum_128 = _make_segsum(H)
_segsum_48 = _make_segsum(48)


def _dense_pq(h, wt, wb, b2d, ho, relu_in=None):
    n = h.shape[0]
    bn = 1000
    fin = h.shape[1]

    if relu_in is None:
        def body(h_ref, wt_ref, wb_ref, b_ref, p_ref, q_ref):
            hb = h_ref[...]
            p_ref[...] = jnp.dot(hb, wt_ref[...],
                                 preferred_element_type=jnp.float32) + b_ref[...]
            q_ref[...] = jnp.dot(hb, wb_ref[...],
                                 preferred_element_type=jnp.float32)

        in_specs = [
            pl.BlockSpec((bn, fin), lambda i: (i, 0)),
            pl.BlockSpec((fin, ho), lambda i: (0, 0)),
            pl.BlockSpec((fin, ho), lambda i: (0, 0)),
            pl.BlockSpec((1, ho), lambda i: (0, 0)),
        ]
        args = (h, wt, wb, b2d)
    else:
        p_prev, a0, a1 = relu_in

        def body(pp_ref, a0_ref, a1_ref, wt_ref, wb_ref, b_ref, p_ref, q_ref):
            hb = jnp.maximum(pp_ref[...] + a0_ref[...] + a1_ref[...], 0.0)
            p_ref[...] = jnp.dot(hb, wt_ref[...],
                                 preferred_element_type=jnp.float32) + b_ref[...]
            q_ref[...] = jnp.dot(hb, wb_ref[...],
                                 preferred_element_type=jnp.float32)

        in_specs = [
            pl.BlockSpec((bn, fin), lambda i: (i, 0)),
            pl.BlockSpec((bn, fin), lambda i: (i, 0)),
            pl.BlockSpec((bn, fin), lambda i: (i, 0)),
            pl.BlockSpec((fin, ho), lambda i: (0, 0)),
            pl.BlockSpec((fin, ho), lambda i: (0, 0)),
            pl.BlockSpec((1, ho), lambda i: (0, 0)),
        ]
        args = (p_prev, a0, a1, wt, wb, b2d)

    return pl.pallas_call(
        body,
        grid=(n // bn,),
        in_specs=in_specs,
        out_specs=[
            pl.BlockSpec((bn, ho), lambda i: (i, 0)),
            pl.BlockSpec((bn, ho), lambda i: (i, 0)),
        ],
        out_shape=[
            jax.ShapeDtypeStruct((n, ho), jnp.float32),
            jax.ShapeDtypeStruct((n, ho), jnp.float32),
        ],
    )(*args)


def _final_logsoftmax(p3, a0, a1):
    n = p3.shape[0]
    bn = 1000
    w = p3.shape[1]

    def body(p_ref, a0_ref, a1_ref, o_ref):
        z = p_ref[...] + a0_ref[...] + a1_ref[...]
        col = lax.broadcasted_iota(jnp.int32, (bn, w), 1)
        valid = col < C
        zm = jnp.where(valid, z, -jnp.inf)
        m = jnp.max(zm, axis=-1, keepdims=True)
        e = jnp.where(valid, jnp.exp(z - m), 0.0)
        lse = jnp.log(jnp.sum(e, axis=-1, keepdims=True)) + m
        o_ref[...] = (z - lse)[:, :C]

    return pl.pallas_call(
        body,
        grid=(n // bn,),
        in_specs=[
            pl.BlockSpec((bn, w), lambda i: (i, 0)),
            pl.BlockSpec((bn, w), lambda i: (i, 0)),
            pl.BlockSpec((bn, w), lambda i: (i, 0)),
        ],
        out_specs=pl.BlockSpec((bn, C), lambda i: (i, 0)),
        out_shape=jax.ShapeDtypeStruct((n, C), jnp.float32),
    )(p3, a0, a1)


def kernel(x, edge_index, W1, b1, W2, b2, W3, b3):
    src = edge_index[0]
    dst = edge_index[1]
    pad = E_PAD - E
    src_p = jnp.concatenate([src, jnp.zeros((pad,), jnp.int32)])
    dst_p = jnp.concatenate([dst, jnp.full((pad,), TRASH, jnp.int32)])
    zeros128 = jnp.zeros((N_ACC, H), jnp.float32)
    zeros48 = jnp.zeros((N_ACC, 48), jnp.float32)

    p1, q1 = _dense_pq(x, W1[:F_IN], W1[F_IN:], b1.reshape(1, -1), H)
    a1 = _segsum_128(q1, src_p, dst_p, zeros128)
    a1_0, a1_1 = a1[:N], a1[N_ACC:N_ACC + N]

    p2, q2 = _dense_pq(p1, W2[:H], W2[H:], b2.reshape(1, -1), H,
                       relu_in=(p1, a1_0, a1_1))
    a2 = _segsum_128(q2, src_p, dst_p, zeros128)
    a2_0, a2_1 = a2[:N], a2[N_ACC:N_ACC + N]

    w3t = jnp.pad(W3[:H], ((0, 0), (0, 1)))
    w3b = jnp.pad(W3[H:], ((0, 0), (0, 1)))
    b3p = jnp.pad(b3, (0, 1)).reshape(1, -1)
    p3, q3 = _dense_pq(p2, w3t, w3b, b3p, 48,
                       relu_in=(p2, a2_0, a2_1))
    a3 = _segsum_48(q3, src_p, dst_p, zeros48)

    return _final_logsoftmax(p3, a3[:N], a3[N_ACC:N_ACC + N])

# --- scband reference (transcript-rebuilt; emitter-appended) ---
"""Pipeline reference for scband-sage-31181462569096 (READ-ONLY COPY).

The authoritative reference and input builder live on the scoring server;
editing this copy changes nothing except your own understanding.
"""

import jax, jax.numpy as jnp
import numpy as np

N, E, F_IN, H, C = 10000, 320000, 128, 128, 47


def sage_conv(x, src, dst, W, b):
    # message = x_j (edge_weight is None); aggr='add' scatter-sum at dst
    msgs = x[src]
    aggr = jax.ops.segment_sum(msgs, dst, num_segments=x.shape[0])
    # concat=True: cat([x_root, aggr]) then linear
    h = jnp.concatenate([x, aggr], axis=-1)
    return h @ W + b


def setup_inputs(seed: int = 0) -> dict:
    key = jax.random.key(seed)
    ks = jax.random.split(key, 8)
    x = jax.random.normal(ks[0], (N, F_IN), dtype=jnp.float32)
    edge_index = jax.random.randint(ks[1], (2, E), 0, N, dtype=jnp.int32)
    # Linear weights for SAGEConv(concat=True): in = 2*in_channels
    W1 = jax.random.normal(ks[2], (2 * F_IN, H), dtype=jnp.float32) * (1.0 / np.sqrt(2 * F_IN))
    b1 = jnp.zeros((H,), dtype=jnp.float32)
    W2 = jax.random.normal(ks[3], (2 * H, H), dtype=jnp.float32) * (1.0 / np.sqrt(2 * H))
    b2 = jnp.zeros((H,), dtype=jnp.float32)
    W3 = jax.random.normal(ks[4], (2 * H, C), dtype=jnp.float32) * (1.0 / np.sqrt(2 * H))
    b3 = jnp.zeros((C,), dtype=jnp.float32)
    return {"x": x, "edge_index": edge_index, "W1": W1, "b1": b1, "W2": W2, "b2": b2, "W3": W3, "b3": b3}


def reference(x, edge_index, W1, b1, W2, b2, W3, b3):
    src = edge_index[0]
    dst = edge_index[1]
    h = sage_conv(x, src, dst, W1, b1)
    h = jax.nn.relu(h)
    # dropout p=0.5: identity in eval / deterministic reference
    h = sage_conv(h, src, dst, W2, b2)
    h = jax.nn.relu(h)
    h = sage_conv(h, src, dst, W3, b3)
    return jax.nn.log_softmax(h, axis=-1)

if __name__ == "__main__":
    import jax
    _d = setup_inputs()
    print(jax.jit(kernel)(*tuple(_d.values())))

</pallas_src>

<mosaic_0001>
#map = affine_map<(d0, d1) -> (0, 0)>
#map1 = affine_map<(d0, d1) -> (0)>
module attributes {stable_mosaic.version = 14 : i64} {
  func.func @segsum(%arg0: i32, %arg1: i32, %arg2: memref<10000x48xf32, #tpu.memory_space<hbm>>, %arg3: memref<323584xi32, #tpu.memory_space<hbm>>, %arg4: memref<323584xi32, #tpu.memory_space<hbm>>, %arg5: memref<10112x48xf32, #tpu.memory_space<hbm>>, %arg6: memref<20224x48xf32, #tpu.memory_space<hbm>>, %arg7: memref<128xi32, #tpu.memory_space<vmem>>, %arg8: memref<128xi32, #tpu.memory_space<vmem>>, %arg9: memref<128x48xf32, #tpu.memory_space<vmem>>, %arg10: memref<10112x48xf32, #tpu.memory_space<vmem_shared>>, %arg11: memref<!tpu.dma_semaphore, #tpu.memory_space<semaphore_mem>>) attributes {dimension_semantics = [#tpu.dimension_semantics<core_parallel>, #tpu.dimension_semantics<subcore_parallel>], iteration_bounds = array<i64: 2, 16>, scalar_prefetch = 0 : i64, scratch_operands = 5 : i64, tpu.core_type = #tpu.core_type<sc_vector_subcore>, window_params = [{transform_indices = #map}, {transform_indices = #map1}, {transform_indices = #map1}, {transform_indices = #map}, {transform_indices = #map}]} {
    %mul3A = arith.constant 16 : i32
    %mul3A_0 = arith.muli %arg0, %mul3A : i32
    %add3A = arith.addi %mul3A_0, %arg1 : i32
    %mul3A_1 = arith.constant 632 : i32
    %mul3A_2 = arith.muli %arg1, %mul3A_1 : i32
    %mul3A_3 = arith.constant 632 : i32
    %mul3A_4 = arith.muli %arg1, %mul3A_3 : i32
    "tpu.region"() ({
      %run_scoped3A = tpu.sem_alloc : memref<!tpu.dma_semaphore, #tpu.memory_space<semaphore_mem>>
      %dma_start3A = arith.constant 0 : i32
      %dma_start3A_20 = tpu.memref_slice %arg10[%mul3A_4, %dma_start3A] : memref<10112x48xf32, #tpu.memory_space<vmem_shared>> -> memref<632x48xf32, #tpu.memory_space<vmem_shared>>
      %dma_start3A_21 = arith.constant 0 : i32
      %dma_start3A_22 = tpu.memref_slice %arg5[%mul3A_2, %dma_start3A_21] : memref<10112x48xf32, #tpu.memory_space<hbm>> -> memref<632x48xf32, #tpu.memory_space<hbm>>
      tpu.enqueue_dma source(%dma_start3A_22 : memref<632x48xf32, #tpu.memory_space<hbm>>) target(%dma_start3A_20 : memref<632x48xf32, #tpu.memory_space<vmem_shared>>) target_semaphore(%run_scoped3A : memref<!tpu.dma_semaphore, #tpu.memory_space<semaphore_mem>>)
      %dma_wait3A = arith.constant 0 : i32
      %dma_wait3A_23 = tpu.memref_slice %arg10[%mul3A_4, %dma_wait3A] : memref<10112x48xf32, #tpu.memory_space<vmem_shared>> -> memref<632x48xf32, #tpu.memory_space<vmem_shared>>
      %dma_wait3A_24 = arith.constant 0 : i32
      %dma_wait3A_25 = tpu.memref_slice %arg5[%mul3A_2, %dma_wait3A_24] : memref<10112x48xf32, #tpu.memory_space<hbm>> -> memref<632x48xf32, #tpu.memory_space<hbm>>
      tpu.wait_dma2 semaphore(%run_scoped3A : memref<!tpu.dma_semaphore, #tpu.memory_space<semaphore_mem>>) src(%dma_wait3A_25 : memref<632x48xf32, #tpu.memory_space<hbm>>) dst(%dma_wait3A_23 : memref<632x48xf32, #tpu.memory_space<vmem_shared>>)
      tpu.yield
    }) : () -> ()
    %barrier3A = arith.constant 0 : index
    tpu.barrier barrier_id(%barrier3A)
    %mul3A_5 = arith.constant 10112 : i32
    %mul3A_6 = arith.muli %add3A, %mul3A_5 : i32
    %scan3A = arith.constant 0 : i32
    %scan3A_7 = arith.constant 0 : i32
    %scan3A_8 = arith.constant 79 : i32
    %scan3A_9 = arith.addi %scan3A_7, %scan3A_8 : i32
    %scan3A_10 = arith.constant 1 : i32
    scf.for %scan3A_20 = %scan3A_7 to %scan3A_9 step %scan3A_10  : i32 {
      %mul3A_21 = arith.constant 128 : i32
      %mul3A_22 = arith.muli %scan3A_20, %mul3A_21 : i32
      %add3A_23 = arith.addi %mul3A_6, %mul3A_22 : i32
      "tpu.region"() ({
        %run_scoped3A = tpu.sem_alloc : memref<!tpu.dma_semaphore, #tpu.memory_space<semaphore_mem>>
        %dma_start3A_28 = tpu.memref_slice %arg3[%add3A_23] : memref<323584xi32, #tpu.memory_space<hbm>> -> memref<128xi32, #tpu.memory_space<hbm>>
        %dma_start3A_29 = tpu.memref_slice %arg3[%add3A_23] : memref<323584xi32, #tpu.memory_space<hbm>> -> memref<128xi32, #tpu.memory_space<hbm>>
        tpu.enqueue_dma source(%dma_start3A_29 : memref<128xi32, #tpu.memory_space<hbm>>) target(%arg7 : memref<128xi32, #tpu.memory_space<vmem>>) target_semaphore(%run_scoped3A : memref<!tpu.dma_semaphore, #tpu.memory_space<semaphore_mem>>)
        %dma_wait3A_30 = tpu.memref_slice %arg3[%add3A_23] : memref<323584xi32, #tpu.memory_space<hbm>> -> memref<128xi32, #tpu.memory_space<hbm>>
        %dma_wait3A_31 = tpu.memref_slice %arg3[%add3A_23] : memref<323584xi32, #tpu.memory_space<hbm>> -> memref<128xi32, #tpu.memory_space<hbm>>
        tpu.wait_dma2 semaphore(%run_scoped3A : memref<!tpu.dma_semaphore, #tpu.memory_space<semaphore_mem>>) src(%dma_wait3A_31 : memref<128xi32, #tpu.memory_space<hbm>>) dst(%arg7 : memref<128xi32, #tpu.memory_space<vmem>>)
        tpu.yield
      }) : () -> ()
      "tpu.region"() ({
        %run_scoped3A = tpu.sem_alloc : memref<!tpu.dma_semaphore, #tpu.memory_space<semaphore_mem>>
        %dma_start3A_28 = tpu.memref_slice %arg4[%add3A_23] : memref<323584xi32, #tpu.memory_space<hbm>> -> memref<128xi32, #tpu.memory_space<hbm>>
        %dma_start3A_29 = tpu.memref_slice %arg4[%add3A_23] : memref<323584xi32, #tpu.memory_space<hbm>> -> memref<128xi32, #tpu.memory_space<hbm>>
        tpu.enqueue_dma source(%dma_start3A_29 : memref<128xi32, #tpu.memory_space<hbm>>) target(%arg8 : memref<128xi32, #tpu.memory_space<vmem>>) target_semaphore(%run_scoped3A : memref<!tpu.dma_semaphore, #tpu.memory_space<semaphore_mem>>)
        %dma_wait3A_30 = tpu.memref_slice %arg4[%add3A_23] : memref<323584xi32, #tpu.memory_space<hbm>> -> memref<128xi32, #tpu.memory_space<hbm>>
        %dma_wait3A_31 = tpu.memref_slice %arg4[%add3A_23] : memref<323584xi32, #tpu.memory_space<hbm>> -> memref<128xi32, #tpu.memory_space<hbm>>
        tpu.wait_dma2 semaphore(%run_scoped3A : memref<!tpu.dma_semaphore, #tpu.memory_space<semaphore_mem>>) src(%dma_wait3A_31 : memref<128xi32, #tpu.memory_space<hbm>>) dst(%arg8 : memref<128xi32, #tpu.memory_space<vmem>>)
        tpu.yield
      }) : () -> ()
      %dma_start3A = arith.constant 0 : i32
      %dma_start3A_24 = arith.constant 0 : i32
      %dma_start3A_25 = tpu.memref_slice %arg2[%dma_start3A, %dma_start3A_24] : memref<10000x48xf32, #tpu.memory_space<hbm>> -> memref<10000x48xf32, #tpu.memory_space<hbm>>
      tpu.enqueue_indirect_dma source(%dma_start3A_25 : memref<10000x48xf32, #tpu.memory_space<hbm>>) target(%arg9 : memref<128x48xf32, #tpu.memory_space<vmem>>) offsets(%arg7 : memref<128xi32, #tpu.memory_space<vmem>>) semaphore(%arg11 : memref<!tpu.dma_semaphore, #tpu.memory_space<semaphore_mem>>)
      %dma_wait3A = arith.constant 0 : i32
      %dma_wait3A_26 = arith.constant 0 : i32
      %dma_wait3A_27 = tpu.memref_slice %arg2[%dma_wait3A, %dma_wait3A_26] : memref<10000x48xf32, #tpu.memory_space<hbm>> -> memref<10000x48xf32, #tpu.memory_space<hbm>>
      tpu.wait_indirect_dma semaphore(%arg11 : memref<!tpu.dma_semaphore, #tpu.memory_space<semaphore_mem>>) src(%dma_wait3A_27 : memref<10000x48xf32, #tpu.memory_space<hbm>>) dst(%arg9 : memref<128x48xf32, #tpu.memory_space<vmem>>)
      "tpu.region"() ({
        %run_scoped3A = tpu.sem_alloc : memref<!tpu.dma_semaphore, #tpu.memory_space<semaphore_mem>>
        %dma_start3A_28 = arith.constant 0 : i32
        %dma_start3A_29 = arith.constant 0 : i32
        %dma_start3A_30 = tpu.memref_slice %arg10[%dma_start3A_28, %dma_start3A_29] : memref<10112x48xf32, #tpu.memory_space<vmem_shared>> -> memref<10112x48xf32, #tpu.memory_space<vmem_shared>>
        tpu.enqueue_indirect_dma source(%arg9 : memref<128x48xf32, #tpu.memory_space<vmem>>) target(%dma_start3A_30 : memref<10112x48xf32, #tpu.memory_space<vmem_shared>>) offsets(%arg8 : memref<128xi32, #tpu.memory_space<vmem>>) semaphore(%run_scoped3A : memref<!tpu.dma_semaphore, #tpu.memory_space<semaphore_mem>>) {add = true}
        %dma_wait3A_31 = arith.constant 0 : i32
        %dma_wait3A_32 = arith.constant 0 : i32
        %dma_wait3A_33 = tpu.memref_slice %arg10[%dma_wait3A_31, %dma_wait3A_32] : memref<10112x48xf32, #tpu.memory_space<vmem_shared>> -> memref<10112x48xf32, #tpu.memory_space<vmem_shared>>
        tpu.wait_indirect_dma semaphore(%run_scoped3A : memref<!tpu.dma_semaphore, #tpu.memory_space<semaphore_mem>>) src(%arg9 : memref<128x48xf32, #tpu.memory_space<vmem>>) dst(%dma_wait3A_33 : memref<10112x48xf32, #tpu.memory_space<vmem_shared>>)
        tpu.yield
      }) : () -> ()
    }
    %scan3A_11 = arith.constant 79 : i32
    %barrier3A_12 = arith.constant 0 : index
    tpu.barrier barrier_id(%barrier3A_12)
    %mul3A_13 = arith.constant 632 : i32
    %mul3A_14 = arith.muli %arg1, %mul3A_13 : i32
    %mul3A_15 = arith.constant 10112 : i32
    %mul3A_16 = arith.muli %arg0, %mul3A_15 : i32
    %mul3A_17 = arith.constant 632 : i32
    %mul3A_18 = arith.muli %arg1, %mul3A_17 : i32
    %add3A_19 = arith.addi %mul3A_16, %mul3A_18 : i32
    "tpu.region"() ({
      %run_scoped3A = tpu.sem_alloc : memref<!tpu.dma_semaphore, #tpu.memory_space<semaphore_mem>>
      %dma_start3A = arith.constant 0 : i32
      %dma_start3A_20 = tpu.memref_slice %arg6[%add3A_19, %dma_start3A] : memref<20224x48xf32, #tpu.memory_space<hbm>> -> memref<632x48xf32, #tpu.memory_space<hbm>>
      %dma_start3A_21 = arith.constant 0 : i32
      %dma_start3A_22 = tpu.memref_slice %arg10[%mul3A_14, %dma_start3A_21] : memref<10112x48xf32, #tpu.memory_space<vmem_shared>> -> memref<632x48xf32, #tpu.memory_space<vmem_shared>>
      tpu.enqueue_dma source(%dma_start3A_22 : memref<632x48xf32, #tpu.memory_space<vmem_shared>>) target(%dma_start3A_20 : memref<632x48xf32, #tpu.memory_space<hbm>>) target_semaphore(%run_scoped3A : memref<!tpu.dma_semaphore, #tpu.memory_space<semaphore_mem>>)
      %dma_wait3A = arith.constant 0 : i32
      %dma_wait3A_23 = tpu.memref_slice %arg6[%add3A_19, %dma_wait3A] : memref<20224x48xf32, #tpu.memory_space<hbm>> -> memref<632x48xf32, #tpu.memory_space<hbm>>
      %dma_wait3A_24 = arith.constant 0 : i32
      %dma_wait3A_25 = tpu.memref_slice %arg10[%mul3A_14, %dma_wait3A_24] : memref<10112x48xf32, #tpu.memory_space<vmem_shared>> -> memref<632x48xf32, #tpu.memory_space<vmem_shared>>
      tpu.wait_dma2 semaphore(%run_scoped3A : memref<!tpu.dma_semaphore, #tpu.memory_space<semaphore_mem>>) src(%dma_wait3A_25 : memref<632x48xf32, #tpu.memory_space<vmem_shared>>) dst(%dma_wait3A_23 : memref<632x48xf32, #tpu.memory_space<hbm>>)
      tpu.yield
    }) : () -> ()
    return
  }
}

#map = affine_map<(d0, d1) -> (0, 0)>
#map1 = affine_map<(d0, d1) -> (0)>
module attributes {stable_mosaic.version = 14 : i64} {
  func.func @segsum(%arg0: i32, %arg1: i32, %arg2: memref<10000x128xf32, #tpu.memory_space<hbm>>, %arg3: memref<323584xi32, #tpu.memory_space<hbm>>, %arg4: memref<323584xi32, #tpu.memory_space<hbm>>, %arg5: memref<10112x128xf32, #tpu.memory_space<hbm>>, %arg6: memref<20224x128xf32, #tpu.memory_space<hbm>>, %arg7: memref<128xi32, #tpu.memory_space<vmem>>, %arg8: memref<128xi32, #tpu.memory_space<vmem>>, %arg9: memref<128x128xf32, #tpu.memory_space<vmem>>, %arg10: memref<10112x128xf32, #tpu.memory_space<vmem_shared>>, %arg11: memref<!tpu.dma_semaphore, #tpu.memory_space<semaphore_mem>>) attributes {dimension_semantics = [#tpu.dimension_semantics<core_parallel>, #tpu.dimension_semantics<subcore_parallel>], iteration_bounds = array<i64: 2, 16>, scalar_prefetch = 0 : i64, scratch_operands = 5 : i64, tpu.core_type = #tpu.core_type<sc_vector_subcore>, window_params = [{transform_indices = #map}, {transform_indices = #map1}, {transform_indices = #map1}, {transform_indices = #map}, {transform_indices = #map}]} {
    %mul3A = arith.constant 16 : i32
    %mul3A_0 = arith.muli %arg0, %mul3A : i32
    %add3A = arith.addi %mul3A_0, %arg1 : i32
    %mul3A_1 = arith.constant 632 : i32
    %mul3A_2 = arith.muli %arg1, %mul3A_1 : i32
    %mul3A_3 = arith.constant 632 : i32
    %mul3A_4 = arith.muli %arg1, %mul3A_3 : i32
    "tpu.region"() ({
      %run_scoped3A = tpu.sem_alloc : memref<!tpu.dma_semaphore, #tpu.memory_space<semaphore_mem>>
      %dma_start3A = arith.constant 0 : i32
      %dma_start3A_20 = tpu.memref_slice %arg10[%mul3A_4, %dma_start3A] : memref<10112x128xf32, #tpu.memory_space<vmem_shared>> -> memref<632x128xf32, #tpu.memory_space<vmem_shared>>
      %dma_start3A_21 = arith.constant 0 : i32
      %dma_start3A_22 = tpu.memref_slice %arg5[%mul3A_2, %dma_start3A_21] : memref<10112x128xf32, #tpu.memory_space<hbm>> -> memref<632x128xf32, #tpu.memory_space<hbm>>
      tpu.enqueue_dma source(%dma_start3A_22 : memref<632x128xf32, #tpu.memory_space<hbm>>) target(%dma_start3A_20 : memref<632x128xf32, #tpu.memory_space<vmem_shared>>) target_semaphore(%run_scoped3A : memref<!tpu.dma_semaphore, #tpu.memory_space<semaphore_mem>>)
      %dma_wait3A = arith.constant 0 : i32
      %dma_wait3A_23 = tpu.memref_slice %arg10[%mul3A_4, %dma_wait3A] : memref<10112x128xf32, #tpu.memory_space<vmem_shared>> -> memref<632x128xf32, #tpu.memory_space<vmem_shared>>
      %dma_wait3A_24 = arith.constant 0 : i32
      %dma_wait3A_25 = tpu.memref_slice %arg5[%mul3A_2, %dma_wait3A_24] : memref<10112x128xf32, #tpu.memory_space<hbm>> -> memref<632x128xf32, #tpu.memory_space<hbm>>
      tpu.wait_dma2 semaphore(%run_scoped3A : memref<!tpu.dma_semaphore, #tpu.memory_space<semaphore_mem>>) src(%dma_wait3A_25 : memref<632x128xf32, #tpu.memory_space<hbm>>) dst(%dma_wait3A_23 : memref<632x128xf32, #tpu.memory_space<vmem_shared>>)
      tpu.yield
    }) : () -> ()
    %barrier3A = arith.constant 0 : index
    tpu.barrier barrier_id(%barrier3A)
    %mul3A_5 = arith.constant 10112 : i32
    %mul3A_6 = arith.muli %add3A, %mul3A_5 : i32
    %scan3A = arith.constant 0 : i32
    %scan3A_7 = arith.constant 0 : i32
    %scan3A_8 = arith.constant 79 : i32
    %scan3A_9 = arith.addi %scan3A_7, %scan3A_8 : i32
    %scan3A_10 = arith.constant 1 : i32
    scf.for %scan3A_20 = %scan3A_7 to %scan3A_9 step %scan3A_10  : i32 {
      %mul3A_21 = arith.constant 128 : i32
      %mul3A_22 = arith.muli %scan3A_20, %mul3A_21 : i32
      %add3A_23 = arith.addi %mul3A_6, %mul3A_22 : i32
      "tpu.region"() ({
        %run_scoped3A = tpu.sem_alloc : memref<!tpu.dma_semaphore, #tpu.memory_space<semaphore_mem>>
        %dma_start3A_28 = tpu.memref_slice %arg3[%add3A_23] : memref<323584xi32, #tpu.memory_space<hbm>> -> memref<128xi32, #tpu.memory_space<hbm>>
        %dma_start3A_29 = tpu.memref_slice %arg3[%add3A_23] : memref<323584xi32, #tpu.memory_space<hbm>> -> memref<128xi32, #tpu.memory_space<hbm>>
        tpu.enqueue_dma source(%dma_start3A_29 : memref<128xi32, #tpu.memory_space<hbm>>) target(%arg7 : memref<128xi32, #tpu.memory_space<vmem>>) target_semaphore(%run_scoped3A : memref<!tpu.dma_semaphore, #tpu.memory_space<semaphore_mem>>)
        %dma_wait3A_30 = tpu.memref_slice %arg3[%add3A_23] : memref<323584xi32, #tpu.memory_space<hbm>> -> memref<128xi32, #tpu.memory_space<hbm>>
        %dma_wait3A_31 = tpu.memref_slice %arg3[%add3A_23] : memref<323584xi32, #tpu.memory_space<hbm>> -> memref<128xi32, #tpu.memory_space<hbm>>
        tpu.wait_dma2 semaphore(%run_scoped3A : memref<!tpu.dma_semaphore, #tpu.memory_space<semaphore_mem>>) src(%dma_wait3A_31 : memref<128xi32, #tpu.memory_space<hbm>>) dst(%arg7 : memref<128xi32, #tpu.memory_space<vmem>>)
        tpu.yield
      }) : () -> ()
      "tpu.region"() ({
        %run_scoped3A = tpu.sem_alloc : memref<!tpu.dma_semaphore, #tpu.memory_space<semaphore_mem>>
        %dma_start3A_28 = tpu.memref_slice %arg4[%add3A_23] : memref<323584xi32, #tpu.memory_space<hbm>> -> memref<128xi32, #tpu.memory_space<hbm>>
        %dma_start3A_29 = tpu.memref_slice %arg4[%add3A_23] : memref<323584xi32, #tpu.memory_space<hbm>> -> memref<128xi32, #tpu.memory_space<hbm>>
        tpu.enqueue_dma source(%dma_start3A_29 : memref<128xi32, #tpu.memory_space<hbm>>) target(%arg8 : memref<128xi32, #tpu.memory_space<vmem>>) target_semaphore(%run_scoped3A : memref<!tpu.dma_semaphore, #tpu.memory_space<semaphore_mem>>)
        %dma_wait3A_30 = tpu.memref_slice %arg4[%add3A_23] : memref<323584xi32, #tpu.memory_space<hbm>> -> memref<128xi32, #tpu.memory_space<hbm>>
        %dma_wait3A_31 = tpu.memref_slice %arg4[%add3A_23] : memref<323584xi32, #tpu.memory_space<hbm>> -> memref<128xi32, #tpu.memory_space<hbm>>
        tpu.wait_dma2 semaphore(%run_scoped3A : memref<!tpu.dma_semaphore, #tpu.memory_space<semaphore_mem>>) src(%dma_wait3A_31 : memref<128xi32, #tpu.memory_space<hbm>>) dst(%arg8 : memref<128xi32, #tpu.memory_space<vmem>>)
        tpu.yield
      }) : () -> ()
      %dma_start3A = arith.constant 0 : i32
      %dma_start3A_24 = arith.constant 0 : i32
      %dma_start3A_25 = tpu.memref_slice %arg2[%dma_start3A, %dma_start3A_24] : memref<10000x128xf32, #tpu.memory_space<hbm>> -> memref<10000x128xf32, #tpu.memory_space<hbm>>
      tpu.enqueue_indirect_dma source(%dma_start3A_25 : memref<10000x128xf32, #tpu.memory_space<hbm>>) target(%arg9 : memref<128x128xf32, #tpu.memory_space<vmem>>) offsets(%arg7 : memref<128xi32, #tpu.memory_space<vmem>>) semaphore(%arg11 : memref<!tpu.dma_semaphore, #tpu.memory_space<semaphore_mem>>)
      %dma_wait3A = arith.constant 0 : i32
      %dma_wait3A_26 = arith.constant 0 : i32
      %dma_wait3A_27 = tpu.memref_slice %arg2[%dma_wait3A, %dma_wait3A_26] : memref<10000x128xf32, #tpu.memory_space<hbm>> -> memref<10000x128xf32, #tpu.memory_space<hbm>>
      tpu.wait_indirect_dma semaphore(%arg11 : memref<!tpu.dma_semaphore, #tpu.memory_space<semaphore_mem>>) src(%dma_wait3A_27 : memref<10000x128xf32, #tpu.memory_space<hbm>>) dst(%arg9 : memref<128x128xf32, #tpu.memory_space<vmem>>)
      "tpu.region"() ({
        %run_scoped3A = tpu.sem_alloc : memref<!tpu.dma_semaphore, #tpu.memory_space<semaphore_mem>>
        %dma_start3A_28 = arith.constant 0 : i32
        %dma_start3A_29 = arith.constant 0 : i32
        %dma_start3A_30 = tpu.memref_slice %arg10[%dma_start3A_28, %dma_start3A_29] : memref<10112x128xf32, #tpu.memory_space<vmem_shared>> -> memref<10112x128xf32, #tpu.memory_space<vmem_shared>>
        tpu.enqueue_indirect_dma source(%arg9 : memref<128x128xf32, #tpu.memory_space<vmem>>) target(%dma_start3A_30 : memref<10112x128xf32, #tpu.memory_space<vmem_shared>>) offsets(%arg8 : memref<128xi32, #tpu.memory_space<vmem>>) semaphore(%run_scoped3A : memref<!tpu.dma_semaphore, #tpu.memory_space<semaphore_mem>>) {add = true}
        %dma_wait3A_31 = arith.constant 0 : i32
        %dma_wait3A_32 = arith.constant 0 : i32
        %dma_wait3A_33 = tpu.memref_slice %arg10[%dma_wait3A_31, %dma_wait3A_32] : memref<10112x128xf32, #tpu.memory_space<vmem_shared>> -> memref<10112x128xf32, #tpu.memory_space<vmem_shared>>
        tpu.wait_indirect_dma semaphore(%run_scoped3A : memref<!tpu.dma_semaphore, #tpu.memory_space<semaphore_mem>>) src(%arg9 : memref<128x128xf32, #tpu.memory_space<vmem>>) dst(%dma_wait3A_33 : memref<10112x128xf32, #tpu.memory_space<vmem_shared>>)
        tpu.yield
      }) : () -> ()
    }
    %scan3A_11 = arith.constant 79 : i32
    %barrier3A_12 = arith.constant 0 : index
    tpu.barrier barrier_id(%barrier3A_12)
    %mul3A_13 = arith.constant 632 : i32
    %mul3A_14 = arith.muli %arg1, %mul3A_13 : i32
    %mul3A_15 = arith.constant 10112 : i32
    %mul3A_16 = arith.muli %arg0, %mul3A_15 : i32
    %mul3A_17 = arith.constant 632 : i32
    %mul3A_18 = arith.muli %arg1, %mul3A_17 : i32
    %add3A_19 = arith.addi %mul3A_16, %mul3A_18 : i32
    "tpu.region"() ({
      %run_scoped3A = tpu.sem_alloc : memref<!tpu.dma_semaphore, #tpu.memory_space<semaphore_mem>>
      %dma_start3A = arith.constant 0 : i32
      %dma_start3A_20 = tpu.memref_slice %arg6[%add3A_19, %dma_start3A] : memref<20224x128xf32, #tpu.memory_space<hbm>> -> memref<632x128xf32, #tpu.memory_space<hbm>>
      %dma_start3A_21 = arith.constant 0 : i32
      %dma_start3A_22 = tpu.memref_slice %arg10[%mul3A_14, %dma_start3A_21] : memref<10112x128xf32, #tpu.memory_space<vmem_shared>> -> memref<632x128xf32, #tpu.memory_space<vmem_shared>>
      tpu.enqueue_dma source(%dma_start3A_22 : memref<632x128xf32, #tpu.memory_space<vmem_shared>>) target(%dma_start3A_20 : memref<632x128xf32, #tpu.memory_space<hbm>>) target_semaphore(%run_scoped3A : memref<!tpu.dma_semaphore, #tpu.memory_space<semaphore_mem>>)
      %dma_wait3A = arith.constant 0 : i32
      %dma_wait3A_23 = tpu.memref_slice %arg6[%add3A_19, %dma_wait3A] : memref<20224x128xf32, #tpu.memory_space<hbm>> -> memref<632x128xf32, #tpu.memory_space<hbm>>
      %dma_wait3A_24 = arith.constant 0 : i32
      %dma_wait3A_25 = tpu.memref_slice %arg10[%mul3A_14, %dma_wait3A_24] : memref<10112x128xf32, #tpu.memory_space<vmem_shared>> -> memref<632x128xf32, #tpu.memory_space<vmem_shared>>
      tpu.wait_dma2 semaphore(%run_scoped3A : memref<!tpu.dma_semaphore, #tpu.memory_space<semaphore_mem>>) src(%dma_wait3A_25 : memref<632x128xf32, #tpu.memory_space<vmem_shared>>) dst(%dma_wait3A_23 : memref<632x128xf32, #tpu.memory_space<hbm>>)
      tpu.yield
    }) : () -> ()
    return
  }
}

#map = affine_map<(d0, d1) -> (0, 0)>
#map1 = affine_map<(d0, d1) -> (0)>
module attributes {stable_mosaic.version = 14 : i64} {
  func.func @segsum(%arg0: i32, %arg1: i32, %arg2: memref<10000x128xf32, #tpu.memory_space<hbm>>, %arg3: memref<323584xi32, #tpu.memory_space<hbm>>, %arg4: memref<323584xi32, #tpu.memory_space<hbm>>, %arg5: memref<10112x128xf32, #tpu.memory_space<hbm>>, %arg6: memref<20224x128xf32, #tpu.memory_space<hbm>>, %arg7: memref<128xi32, #tpu.memory_space<vmem>>, %arg8: memref<128xi32, #tpu.memory_space<vmem>>, %arg9: memref<128x128xf32, #tpu.memory_space<vmem>>, %arg10: memref<10112x128xf32, #tpu.memory_space<vmem_shared>>, %arg11: memref<!tpu.dma_semaphore, #tpu.memory_space<semaphore_mem>>) attributes {dimension_semantics = [#tpu.dimension_semantics<core_parallel>, #tpu.dimension_semantics<subcore_parallel>], iteration_bounds = array<i64: 2, 16>, scalar_prefetch = 0 : i64, scratch_operands = 5 : i64, tpu.core_type = #tpu.core_type<sc_vector_subcore>, window_params = [{transform_indices = #map}, {transform_indices = #map1}, {transform_indices = #map1}, {transform_indices = #map}, {transform_indices = #map}]} {
    %mul3A = arith.constant 16 : i32
    %mul3A_0 = arith.muli %arg0, %mul3A : i32
    %add3A = arith.addi %mul3A_0, %arg1 : i32
    %mul3A_1 = arith.constant 632 : i32
    %mul3A_2 = arith.muli %arg1, %mul3A_1 : i32
    %mul3A_3 = arith.constant 632 : i32
    %mul3A_4 = arith.muli %arg1, %mul3A_3 : i32
    "tpu.region"() ({
      %run_scoped3A = tpu.sem_alloc : memref<!tpu.dma_semaphore, #tpu.memory_space<semaphore_mem>>
      %dma_start3A = arith.constant 0 : i32
      %dma_start3A_20 = tpu.memref_slice %arg10[%mul3A_4, %dma_start3A] : memref<10112x128xf32, #tpu.memory_space<vmem_shared>> -> memref<632x128xf32, #tpu.memory_space<vmem_shared>>
      %dma_start3A_21 = arith.constant 0 : i32
      %dma_start3A_22 = tpu.memref_slice %arg5[%mul3A_2, %dma_start3A_21] : memref<10112x128xf32, #tpu.memory_space<hbm>> -> memref<632x128xf32, #tpu.memory_space<hbm>>
      tpu.enqueue_dma source(%dma_start3A_22 : memref<632x128xf32, #tpu.memory_space<hbm>>) target(%dma_start3A_20 : memref<632x128xf32, #tpu.memory_space<vmem_shared>>) target_semaphore(%run_scoped3A : memref<!tpu.dma_semaphore, #tpu.memory_space<semaphore_mem>>)
      %dma_wait3A = arith.constant 0 : i32
      %dma_wait3A_23 = tpu.memref_slice %arg10[%mul3A_4, %dma_wait3A] : memref<10112x128xf32, #tpu.memory_space<vmem_shared>> -> memref<632x128xf32, #tpu.memory_space<vmem_shared>>
      %dma_wait3A_24 = arith.constant 0 : i32
      %dma_wait3A_25 = tpu.memref_slice %arg5[%mul3A_2, %dma_wait3A_24] : memref<10112x128xf32, #tpu.memory_space<hbm>> -> memref<632x128xf32, #tpu.memory_space<hbm>>
      tpu.wait_dma2 semaphore(%run_scoped3A : memref<!tpu.dma_semaphore, #tpu.memory_space<semaphore_mem>>) src(%dma_wait3A_25 : memref<632x128xf32, #tpu.memory_space<hbm>>) dst(%dma_wait3A_23 : memref<632x128xf32, #tpu.memory_space<vmem_shared>>)
      tpu.yield
    }) : () -> ()
    %barrier3A = arith.constant 0 : index
    tpu.barrier barrier_id(%barrier3A)
    %mul3A_5 = arith.constant 10112 : i32
    %mul3A_6 = arith.muli %add3A, %mul3A_5 : i32
    %scan3A = arith.constant 0 : i32
    %scan3A_7 = arith.constant 0 : i32
    %scan3A_8 = arith.constant 79 : i32
    %scan3A_9 = arith.addi %scan3A_7, %scan3A_8 : i32
    %scan3A_10 = arith.constant 1 : i32
    scf.for %scan3A_20 = %scan3A_7 to %scan3A_9 step %scan3A_10  : i32 {
      %mul3A_21 = arith.constant 128 : i32
      %mul3A_22 = arith.muli %scan3A_20, %mul3A_21 : i32
      %add3A_23 = arith.addi %mul3A_6, %mul3A_22 : i32
      "tpu.region"() ({
        %run_scoped3A = tpu.sem_alloc : memref<!tpu.dma_semaphore, #tpu.memory_space<semaphore_mem>>
        %dma_start3A_28 = tpu.memref_slice %arg3[%add3A_23] : memref<323584xi32, #tpu.memory_space<hbm>> -> memref<128xi32, #tpu.memory_space<hbm>>
        %dma_start3A_29 = tpu.memref_slice %arg3[%add3A_23] : memref<323584xi32, #tpu.memory_space<hbm>> -> memref<128xi32, #tpu.memory_space<hbm>>
        tpu.enqueue_dma source(%dma_start3A_29 : memref<128xi32, #tpu.memory_space<hbm>>) target(%arg7 : memref<128xi32, #tpu.memory_space<vmem>>) target_semaphore(%run_scoped3A : memref<!tpu.dma_semaphore, #tpu.memory_space<semaphore_mem>>)
        %dma_wait3A_30 = tpu.memref_slice %arg3[%add3A_23] : memref<323584xi32, #tpu.memory_space<hbm>> -> memref<128xi32, #tpu.memory_space<hbm>>
        %dma_wait3A_31 = tpu.memref_slice %arg3[%add3A_23] : memref<323584xi32, #tpu.memory_space<hbm>> -> memref<128xi32, #tpu.memory_space<hbm>>
        tpu.wait_dma2 semaphore(%run_scoped3A : memref<!tpu.dma_semaphore, #tpu.memory_space<semaphore_mem>>) src(%dma_wait3A_31 : memref<128xi32, #tpu.memory_space<hbm>>) dst(%arg7 : memref<128xi32, #tpu.memory_space<vmem>>)
        tpu.yield
      }) : () -> ()
      "tpu.region"() ({
        %run_scoped3A = tpu.sem_alloc : memref<!tpu.dma_semaphore, #tpu.memory_space<semaphore_mem>>
        %dma_start3A_28 = tpu.memref_slice %arg4[%add3A_23] : memref<323584xi32, #tpu.memory_space<hbm>> -> memref<128xi32, #tpu.memory_space<hbm>>
        %dma_start3A_29 = tpu.memref_slice %arg4[%add3A_23] : memref<323584xi32, #tpu.memory_space<hbm>> -> memref<128xi32, #tpu.memory_space<hbm>>
        tpu.enqueue_dma source(%dma_start3A_29 : memref<128xi32, #tpu.memory_space<hbm>>) target(%arg8 : memref<128xi32, #tpu.memory_space<vmem>>) target_semaphore(%run_scoped3A : memref<!tpu.dma_semaphore, #tpu.memory_space<semaphore_mem>>)
        %dma_wait3A_30 = tpu.memref_slice %arg4[%add3A_23] : memref<323584xi32, #tpu.memory_space<hbm>> -> memref<128xi32, #tpu.memory_space<hbm>>
        %dma_wait3A_31 = tpu.memref_slice %arg4[%add3A_23] : memref<323584xi32, #tpu.memory_space<hbm>> -> memref<128xi32, #tpu.memory_space<hbm>>
        tpu.wait_dma2 semaphore(%run_scoped3A : memref<!tpu.dma_semaphore, #tpu.memory_space<semaphore_mem>>) src(%dma_wait3A_31 : memref<128xi32, #tpu.memory_space<hbm>>) dst(%arg8 : memref<128xi32, #tpu.memory_space<vmem>>)
        tpu.yield
      }) : () -> ()
      %dma_start3A = arith.constant 0 : i32
      %dma_start3A_24 = arith.constant 0 : i32
      %dma_start3A_25 = tpu.memref_slice %arg2[%dma_start3A, %dma_start3A_24] : memref<10000x128xf32, #tpu.memory_space<hbm>> -> memref<10000x128xf32, #tpu.memory_space<hbm>>
      tpu.enqueue_indirect_dma source(%dma_start3A_25 : memref<10000x128xf32, #tpu.memory_space<hbm>>) target(%arg9 : memref<128x128xf32, #tpu.memory_space<vmem>>) offsets(%arg7 : memref<128xi32, #tpu.memory_space<vmem>>) semaphore(%arg11 : memref<!tpu.dma_semaphore, #tpu.memory_space<semaphore_mem>>)
      %dma_wait3A = arith.constant 0 : i32
      %dma_wait3A_26 = arith.constant 0 : i32
      %dma_wait3A_27 = tpu.memref_slice %arg2[%dma_wait3A, %dma_wait3A_26] : memref<10000x128xf32, #tpu.memory_space<hbm>> -> memref<10000x128xf32, #tpu.memory_space<hbm>>
      tpu.wait_indirect_dma semaphore(%arg11 : memref<!tpu.dma_semaphore, #tpu.memory_space<semaphore_mem>>) src(%dma_wait3A_27 : memref<10000x128xf32, #tpu.memory_space<hbm>>) dst(%arg9 : memref<128x128xf32, #tpu.memory_space<vmem>>)
      "tpu.region"() ({
        %run_scoped3A = tpu.sem_alloc : memref<!tpu.dma_semaphore, #tpu.memory_space<semaphore_mem>>
        %dma_start3A_28 = arith.constant 0 : i32
        %dma_start3A_29 = arith.constant 0 : i32
        %dma_start3A_30 = tpu.memref_slice %arg10[%dma_start3A_28, %dma_start3A_29] : memref<10112x128xf32, #tpu.memory_space<vmem_shared>> -> memref<10112x128xf32, #tpu.memory_space<vmem_shared>>
        tpu.enqueue_indirect_dma source(%arg9 : memref<128x128xf32, #tpu.memory_space<vmem>>) target(%dma_start3A_30 : memref<10112x128xf32, #tpu.memory_space<vmem_shared>>) offsets(%arg8 : memref<128xi32, #tpu.memory_space<vmem>>) semaphore(%run_scoped3A : memref<!tpu.dma_semaphore, #tpu.memory_space<semaphore_mem>>) {add = true}
        %dma_wait3A_31 = arith.constant 0 : i32
        %dma_wait3A_32 = arith.constant 0 : i32
        %dma_wait3A_33 = tpu.memref_slice %arg10[%dma_wait3A_31, %dma_wait3A_32] : memref<10112x128xf32, #tpu.memory_space<vmem_shared>> -> memref<10112x128xf32, #tpu.memory_space<vmem_shared>>
        tpu.wait_indirect_dma semaphore(%run_scoped3A : memref<!tpu.dma_semaphore, #tpu.memory_space<semaphore_mem>>) src(%arg9 : memref<128x128xf32, #tpu.memory_space<vmem>>) dst(%dma_wait3A_33 : memref<10112x128xf32, #tpu.memory_space<vmem_shared>>)
        tpu.yield
      }) : () -> ()
    }
    %scan3A_11 = arith.constant 79 : i32
    %barrier3A_12 = arith.constant 0 : index
    tpu.barrier barrier_id(%barrier3A_12)
    %mul3A_13 = arith.constant 632 : i32
    %mul3A_14 = arith.muli %arg1, %mul3A_13 : i32
    %mul3A_15 = arith.constant 10112 : i32
    %mul3A_16 = arith.muli %arg0, %mul3A_15 : i32
    %mul3A_17 = arith.constant 632 : i32
    %mul3A_18 = arith.muli %arg1, %mul3A_17 : i32
    %add3A_19 = arith.addi %mul3A_16, %mul3A_18 : i32
    "tpu.region"() ({
      %run_scoped3A = tpu.sem_alloc : memref<!tpu.dma_semaphore, #tpu.memory_space<semaphore_mem>>
      %dma_start3A = arith.constant 0 : i32
      %dma_start3A_20 = tpu.memref_slice %arg6[%add3A_19, %dma_start3A] : memref<20224x128xf32, #tpu.memory_space<hbm>> -> memref<632x128xf32, #tpu.memory_space<hbm>>
      %dma_start3A_21 = arith.constant 0 : i32
      %dma_start3A_22 = tpu.memref_slice %arg10[%mul3A_14, %dma_start3A_21] : memref<10112x128xf32, #tpu.memory_space<vmem_shared>> -> memref<632x128xf32, #tpu.memory_space<vmem_shared>>
      tpu.enqueue_dma source(%dma_start3A_22 : memref<632x128xf32, #tpu.memory_space<vmem_shared>>) target(%dma_start3A_20 : memref<632x128xf32, #tpu.memory_space<hbm>>) target_semaphore(%run_scoped3A : memref<!tpu.dma_semaphore, #tpu.memory_space<semaphore_mem>>)
      %dma_wait3A = arith.constant 0 : i32
      %dma_wait3A_23 = tpu.memref_slice %arg6[%add3A_19, %dma_wait3A] : memref<20224x128xf32, #tpu.memory_space<hbm>> -> memref<632x128xf32, #tpu.memory_space<hbm>>
      %dma_wait3A_24 = arith.constant 0 : i32
      %dma_wait3A_25 = tpu.memref_slice %arg10[%mul3A_14, %dma_wait3A_24] : memref<10112x128xf32, #tpu.memory_space<vmem_shared>> -> memref<632x128xf32, #tpu.memory_space<vmem_shared>>
      tpu.wait_dma2 semaphore(%run_scoped3A : memref<!tpu.dma_semaphore, #tpu.memory_space<semaphore_mem>>) src(%dma_wait3A_25 : memref<632x128xf32, #tpu.memory_space<vmem_shared>>) dst(%dma_wait3A_23 : memref<632x128xf32, #tpu.memory_space<hbm>>)
      tpu.yield
    }) : () -> ()
    return
  }
}

module attributes {stable_mosaic.version = 14 : i64} {
  func.func @body(%arg0: i32, %arg1: memref<1000x128xf32, #tpu.memory_space<vmem>>, %arg2: memref<128x128xf32, #tpu.memory_space<vmem>>, %arg3: memref<128x128xf32, #tpu.memory_space<vmem>>, %arg4: memref<1x128xf32, #tpu.memory_space<vmem>>, %arg5: memref<1000x128xf32, #tpu.memory_space<vmem>>, %arg6: memref<1000x128xf32, #tpu.memory_space<vmem>>) attributes {dimension_semantics = [#tpu.dimension_semantics<arbitrary>], iteration_bounds = array<i64: 10>, scalar_prefetch = 0 : i64, scratch_operands = 0 : i64, tpu.core_type = #tpu.core_type<tc>, window_params = [{transform_indices = @transform_0, window_bounds = array<i64: 1000, 128>}, {pipeline_mode = #tpu.pipeline_mode<synchronous>, transform_indices = @transform_1, window_bounds = array<i64: 128, 128>}, {pipeline_mode = #tpu.pipeline_mode<synchronous>, transform_indices = @transform_2, window_bounds = array<i64: 128, 128>}, {pipeline_mode = #tpu.pipeline_mode<synchronous>, transform_indices = @transform_3, window_bounds = array<i64: 1, 128>}, {transform_indices = @transform_4, window_bounds = array<i64: 1000, 128>}, {transform_indices = @transform_5, window_bounds = array<i64: 1000, 128>}]} {
    %get3A = arith.constant 0 : index
    %get3A_0 = arith.constant 0 : index
    %get3A_1 = vector.load %arg1[%get3A, %get3A_0] : memref<1000x128xf32, #tpu.memory_space<vmem>>, vector<1000x128xf32>
    %get3A_2 = arith.constant 0 : index
    %get3A_3 = arith.constant 0 : index
    %get3A_4 = vector.load %arg2[%get3A_2, %get3A_3] : memref<128x128xf32, #tpu.memory_space<vmem>>, vector<128x128xf32>
    %dot_general3A = arith.constant dense<0.000000e+00> : vector<1000x128xf32>
    %dot_general3A_5 = tpu.matmul %get3A_1, %get3A_4, %dot_general3A {dimension_numbers = #tpu.dot_dimension_numbers<[1], [0], [0], [1], [0, 0, 1, 1], [], []>, transpose_lhs_hint = false} : vector<1000x128xf32>, vector<128x128xf32>, vector<1000x128xf32> -> vector<1000x128xf32>
    %get3A_6 = arith.constant 0 : index
    %get3A_7 = arith.constant 0 : index
    %get3A_8 = vector.load %arg4[%get3A_6, %get3A_7] : memref<1x128xf32, #tpu.memory_space<vmem>>, vector<1x128xf32>
    %add3A = vector.broadcast %get3A_8 : vector<1x128xf32> to vector<1000x128xf32>
    %add3A_9 = arith.addf %dot_general3A_5, %add3A : vector<1000x128xf32>
    %swap3A = arith.constant 0 : index
    %swap3A_10 = arith.constant 0 : index
    %swap3A_11 = vector.load %arg5[%swap3A, %swap3A_10] : memref<1000x128xf32, #tpu.memory_space<vmem>>, vector<1000x128xf32>
    tpu.vector_store %arg5[%swap3A, %swap3A_10], %add3A_9 {strides = array<i32>} : memref<1000x128xf32, #tpu.memory_space<vmem>>, vector<1000x128xf32>,
    %get3A_12 = arith.constant 0 : index
    %get3A_13 = arith.constant 0 : index
    %get3A_14 = vector.load %arg3[%get3A_12, %get3A_13] : memref<128x128xf32, #tpu.memory_space<vmem>>, vector<128x128xf32>
    %dot_general3A_15 = arith.constant dense<0.000000e+00> : vector<1000x128xf32>
    %dot_general3A_16 = tpu.matmul %get3A_1, %get3A_14, %dot_general3A_15 {dimension_numbers = #tpu.dot_dimension_numbers<[1], [0], [0], [1], [0, 0, 1, 1], [], []>, transpose_lhs_hint = false} : vector<1000x128xf32>, vector<128x128xf32>, vector<1000x128xf32> -> vector<1000x128xf32>
    %swap3A_17 = arith.constant 0 : index
    %swap3A_18 = arith.constant 0 : index
    %swap3A_19 = vector.load %arg6[%swap3A_17, %swap3A_18] : memref<1000x128xf32, #tpu.memory_space<vmem>>, vector<1000x128xf32>
    tpu.vector_store %arg6[%swap3A_17, %swap3A_18], %dot_general3A_16 {strides = array<i32>} : memref<1000x128xf32, #tpu.memory_space<vmem>>, vector<1000x128xf32>,
    return
  }
  func.func @transform_0(%arg0: i32) -> (i32, i32) {
    %c0_i32 = arith.constant 0 : i32
    %c0_i32_0 = arith.constant 0 : i32
    return %arg0, %c0_i32 : i32, i32
  }
  func.func @transform_1(%arg0: i32) -> (i32, i32) {
    %c0_i32 = arith.constant 0 : i32
    %c0_i32_0 = arith.constant 0 : i32
    %c0_i32_1 = arith.constant 0 : i32
    return %c0_i32, %c0_i32_0 : i32, i32
  }
  func.func @transform_2(%arg0: i32) -> (i32, i32) {
    %c0_i32 = arith.constant 0 : i32
    %c0_i32_0 = arith.constant 0 : i32
    %c0_i32_1 = arith.constant 0 : i32
    return %c0_i32, %c0_i32_0 : i32, i32
  }
  func.func @transform_3(%arg0: i32) -> (i32, i32) {
    %c0_i32 = arith.constant 0 : i32
    %c0_i32_0 = arith.constant 0 : i32
    %c0_i32_1 = arith.constant 0 : i32
    return %c0_i32, %c0_i32_0 : i32, i32
  }
  func.func @transform_4(%arg0: i32) -> (i32, i32) {
    %c0_i32 = arith.constant 0 : i32
    %c0_i32_0 = arith.constant 0 : i32
    return %arg0, %c0_i32 : i32, i32
  }
  func.func @transform_5(%arg0: i32) -> (i32, i32) {
    %c0_i32 = arith.constant 0 : i32
    %c0_i32_0 = arith.constant 0 : i32
    return %arg0, %c0_i32 : i32, i32
  }
}

module attributes {stable_mosaic.version = 14 : i64} {
  func.func @body(%arg0: i32, %arg1: memref<1000x128xf32, #tpu.memory_space<vmem>>, %arg2: memref<1000x128xf32, #tpu.memory_space<vmem>>, %arg3: memref<1000x128xf32, #tpu.memory_space<vmem>>, %arg4: memref<128x128xf32, #tpu.memory_space<vmem>>, %arg5: memref<128x128xf32, #tpu.memory_space<vmem>>, %arg6: memref<1x128xf32, #tpu.memory_space<vmem>>, %arg7: memref<1000x128xf32, #tpu.memory_space<vmem>>, %arg8: memref<1000x128xf32, #tpu.memory_space<vmem>>) attributes {dimension_semantics = [#tpu.dimension_semantics<arbitrary>], iteration_bounds = array<i64: 10>, scalar_prefetch = 0 : i64, scratch_operands = 0 : i64, tpu.core_type = #tpu.core_type<tc>, window_params = [{transform_indices = @transform_0, window_bounds = array<i64: 1000, 128>}, {transform_indices = @transform_1, window_bounds = array<i64: 1000, 128>}, {transform_indices = @transform_2, window_bounds = array<i64: 1000, 128>}, {pipeline_mode = #tpu.pipeline_mode<synchronous>, transform_indices = @transform_3, window_bounds = array<i64: 128, 128>}, {pipeline_mode = #tpu.pipeline_mode<synchronous>, transform_indices = @transform_4, window_bounds = array<i64: 128, 128>}, {pipeline_mode = #tpu.pipeline_mode<synchronous>, transform_indices = @transform_5, window_bounds = array<i64: 1, 128>}, {transform_indices = @transform_6, window_bounds = array<i64: 1000, 128>}, {transform_indices = @transform_7, window_bounds = array<i64: 1000, 128>}]} {
    %get3A = arith.constant 0 : index
    %get3A_0 = arith.constant 0 : index
    %get3A_1 = vector.load %arg1[%get3A, %get3A_0] : memref<1000x128xf32, #tpu.memory_space<vmem>>, vector<1000x128xf32>
    %get3A_2 = arith.constant 0 : index
    %get3A_3 = arith.constant 0 : index
    %get3A_4 = vector.load %arg2[%get3A_2, %get3A_3] : memref<1000x128xf32, #tpu.memory_space<vmem>>, vector<1000x128xf32>
    %add3A = arith.addf %get3A_1, %get3A_4 : vector<1000x128xf32>
    %get3A_5 = arith.constant 0 : index
    %get3A_6 = arith.constant 0 : index
    %get3A_7 = vector.load %arg3[%get3A_5, %get3A_6] : memref<1000x128xf32, #tpu.memory_space<vmem>>, vector<1000x128xf32>
    %add3A_8 = arith.addf %add3A, %get3A_7 : vector<1000x128xf32>
    %max3A = arith.constant 0.000000e+00 : f32
    %max3A_9 = vector.broadcast %max3A : f32 to vector<1000x128xf32>
    %max3A_10 = arith.maximumf %add3A_8, %max3A_9 : vector<1000x128xf32>
    %get3A_11 = arith.constant 0 : index
    %get3A_12 = arith.constant 0 : index
    %get3A_13 = vector.load %arg4[%get3A_11, %get3A_12] : memref<128x128xf32, #tpu.memory_space<vmem>>, vector<128x128xf32>
    %dot_general3A = arith.constant dense<0.000000e+00> : vector<1000x128xf32>
    %dot_general3A_14 = tpu.matmul %max3A_10, %get3A_13, %dot_general3A {dimension_numbers = #tpu.dot_dimension_numbers<[1], [0], [0], [1], [0, 0, 1, 1], [], []>, transpose_lhs_hint = false} : vector<1000x128xf32>, vector<128x128xf32>, vector<1000x128xf32> -> vector<1000x128xf32>
    %get3A_15 = arith.constant 0 : index
    %get3A_16 = arith.constant 0 : index
    %get3A_17 = vector.load %arg6[%get3A_15, %get3A_16] : memref<1x128xf32, #tpu.memory_space<vmem>>, vector<1x128xf32>
    %add3A_18 = vector.broadcast %get3A_17 : vector<1x128xf32> to vector<1000x128xf32>
    %add3A_19 = arith.addf %dot_general3A_14, %add3A_18 : vector<1000x128xf32>
    %swap3A = arith.constant 0 : index
    %swap3A_20 = arith.constant 0 : index
    %swap3A_21 = vector.load %arg7[%swap3A, %swap3A_20] : memref<1000x128xf32, #tpu.memory_space<vmem>>, vector<1000x128xf32>
    tpu.vector_store %arg7[%swap3A, %swap3A_20], %add3A_19 {strides = array<i32>} : memref<1000x128xf32, #tpu.memory_space<vmem>>, vector<1000x128xf32>,
    %get3A_22 = arith.constant 0 : index
    %get3A_23 = arith.constant 0 : index
    %get3A_24 = vector.load %arg5[%get3A_22, %get3A_23] : memref<128x128xf32, #tpu.memory_space<vmem>>, vector<128x128xf32>
    %dot_general3A_25 = arith.constant dense<0.000000e+00> : vector<1000x128xf32>
    %dot_general3A_26 = tpu.matmul %max3A_10, %get3A_24, %dot_general3A_25 {dimension_numbers = #tpu.dot_dimension_numbers<[1], [0], [0], [1], [0, 0, 1, 1], [], []>, transpose_lhs_hint = false} : vector<1000x128xf32>, vector<128x128xf32>, vector<1000x128xf32> -> vector<1000x128xf32>
    %swap3A_27 = arith.constant 0 : index
    %swap3A_28 = arith.constant 0 : index
    %swap3A_29 = vector.load %arg8[%swap3A_27, %swap3A_28] : memref<1000x128xf32, #tpu.memory_space<vmem>>, vector<1000x128xf32>
    tpu.vector_store %arg8[%swap3A_27, %swap3A_28], %dot_general3A_26 {strides = array<i32>} : memref<1000x128xf32, #tpu.memory_space<vmem>>, vector<1000x128xf32>,
    return
  }
  func.func @transform_0(%arg0: i32) -> (i32, i32) {
    %c0_i32 = arith.constant 0 : i32
    %c0_i32_0 = arith.constant 0 : i32
    return %arg0, %c0_i32 : i32, i32
  }
  func.func @transform_1(%arg0: i32) -> (i32, i32) {
    %c0_i32 = arith.constant 0 : i32
    %c0_i32_0 = arith.constant 0 : i32
    return %arg0, %c0_i32 : i32, i32
  }
  func.func @transform_2(%arg0: i32) -> (i32, i32) {
    %c0_i32 = arith.constant 0 : i32
    %c0_i32_0 = arith.constant 0 : i32
    return %arg0, %c0_i32 : i32, i32
  }
  func.func @transform_3(%arg0: i32) -> (i32, i32) {
    %c0_i32 = arith.constant 0 : i32
    %c0_i32_0 = arith.constant 0 : i32
    %c0_i32_1 = arith.constant 0 : i32
    return %c0_i32, %c0_i32_0 : i32, i32
  }
  func.func @transform_4(%arg0: i32) -> (i32, i32) {
    %c0_i32 = arith.constant 0 : i32
    %c0_i32_0 = arith.constant 0 : i32
    %c0_i32_1 = arith.constant 0 : i32
    return %c0_i32, %c0_i32_0 : i32, i32
  }
  func.func @transform_5(%arg0: i32) -> (i32, i32) {
    %c0_i32 = arith.constant 0 : i32
    %c0_i32_0 = arith.constant 0 : i32
    %c0_i32_1 = arith.constant 0 : i32
    return %c0_i32, %c0_i32_0 : i32, i32
  }
  func.func @transform_6(%arg0: i32) -> (i32, i32) {
    %c0_i32 = arith.constant 0 : i32
    %c0_i32_0 = arith.constant 0 : i32
    return %arg0, %c0_i32 : i32, i32
  }
  func.func @transform_7(%arg0: i32) -> (i32, i32) {
    %c0_i32 = arith.constant 0 : i32
    %c0_i32_0 = arith.constant 0 : i32
    return %arg0, %c0_i32 : i32, i32
  }
}

module attributes {stable_mosaic.version = 14 : i64} {
  func.func @body(%arg0: i32, %arg1: memref<1000x128xf32, #tpu.memory_space<vmem>>, %arg2: memref<1000x128xf32, #tpu.memory_space<vmem>>, %arg3: memref<1000x128xf32, #tpu.memory_space<vmem>>, %arg4: memref<128x48xf32, #tpu.memory_space<vmem>>, %arg5: memref<128x48xf32, #tpu.memory_space<vmem>>, %arg6: memref<1x48xf32, #tpu.memory_space<vmem>>, %arg7: memref<1000x48xf32, #tpu.memory_space<vmem>>, %arg8: memref<1000x48xf32, #tpu.memory_space<vmem>>) attributes {dimension_semantics = [#tpu.dimension_semantics<arbitrary>], iteration_bounds = array<i64: 10>, scalar_prefetch = 0 : i64, scratch_operands = 0 : i64, tpu.core_type = #tpu.core_type<tc>, window_params = [{transform_indices = @transform_0, window_bounds = array<i64: 1000, 128>}, {transform_indices = @transform_1, window_bounds = array<i64: 1000, 128>}, {transform_indices = @transform_2, window_bounds = array<i64: 1000, 128>}, {pipeline_mode = #tpu.pipeline_mode<synchronous>, transform_indices = @transform_3, window_bounds = array<i64: 128, 48>}, {pipeline_mode = #tpu.pipeline_mode<synchronous>, transform_indices = @transform_4, window_bounds = array<i64: 128, 48>}, {pipeline_mode = #tpu.pipeline_mode<synchronous>, transform_indices = @transform_5, window_bounds = array<i64: 1, 48>}, {transform_indices = @transform_6, window_bounds = array<i64: 1000, 48>}, {transform_indices = @transform_7, window_bounds = array<i64: 1000, 48>}]} {
    %get3A = arith.constant 0 : index
    %get3A_0 = arith.constant 0 : index
    %get3A_1 = vector.load %arg1[%get3A, %get3A_0] : memref<1000x128xf32, #tpu.memory_space<vmem>>, vector<1000x128xf32>
    %get3A_2 = arith.constant 0 : index
    %get3A_3 = arith.constant 0 : index
    %get3A_4 = vector.load %arg2[%get3A_2, %get3A_3] : memref<1000x128xf32, #tpu.memory_space<vmem>>, vector<1000x128xf32>
    %add3A = arith.addf %get3A_1, %get3A_4 : vector<1000x128xf32>
    %get3A_5 = arith.constant 0 : index
    %get3A_6 = arith.constant 0 : index
    %get3A_7 = vector.load %arg3[%get3A_5, %get3A_6] : memref<1000x128xf32, #tpu.memory_space<vmem>>, vector<1000x128xf32>
    %add3A_8 = arith.addf %add3A, %get3A_7 : vector<1000x128xf32>
    %max3A = arith.constant 0.000000e+00 : f32
    %max3A_9 = vector.broadcast %max3A : f32 to vector<1000x128xf32>
    %max3A_10 = arith.maximumf %add3A_8, %max3A_9 : vector<1000x128xf32>
    %get3A_11 = arith.constant 0 : index
    %get3A_12 = arith.constant 0 : index
    %get3A_13 = vector.load %arg4[%get3A_11, %get3A_12] : memref<128x48xf32, #tpu.memory_space<vmem>>, vector<128x48xf32>
    %dot_general3A = arith.constant dense<0.000000e+00> : vector<1000x48xf32>
    %dot_general3A_14 = tpu.matmul %max3A_10, %get3A_13, %dot_general3A {dimension_numbers = #tpu.dot_dimension_numbers<[1], [0], [0], [1], [0, 0, 1, 1], [], []>, transpose_lhs_hint = false} : vector<1000x128xf32>, vector<128x48xf32>, vector<1000x48xf32> -> vector<1000x48xf32>
    %get3A_15 = arith.constant 0 : index
    %get3A_16 = arith.constant 0 : index
    %get3A_17 = vector.load %arg6[%get3A_15, %get3A_16] : memref<1x48xf32, #tpu.memory_space<vmem>>, vector<1x48xf32>
    %add3A_18 = vector.broadcast %get3A_17 : vector<1x48xf32> to vector<1000x48xf32>
    %add3A_19 = arith.addf %dot_general3A_14, %add3A_18 : vector<1000x48xf32>
    %swap3A = arith.constant 0 : index
    %swap3A_20 = arith.constant 0 : index
    %swap3A_21 = vector.load %arg7[%swap3A, %swap3A_20] : memref<1000x48xf32, #tpu.memory_space<vmem>>, vector<1000x48xf32>
    tpu.vector_store %arg7[%swap3A, %swap3A_20], %add3A_19 {strides = array<i32>} : memref<1000x48xf32, #tpu.memory_space<vmem>>, vector<1000x48xf32>,
    %get3A_22 = arith.constant 0 : index
    %get3A_23 = arith.constant 0 : index
    %get3A_24 = vector.load %arg5[%get3A_22, %get3A_23] : memref<128x48xf32, #tpu.memory_space<vmem>>, vector<128x48xf32>
    %dot_general3A_25 = arith.constant dense<0.000000e+00> : vector<1000x48xf32>
    %dot_general3A_26 = tpu.matmul %max3A_10, %get3A_24, %dot_general3A_25 {dimension_numbers = #tpu.dot_dimension_numbers<[1], [0], [0], [1], [0, 0, 1, 1], [], []>, transpose_lhs_hint = false} : vector<1000x128xf32>, vector<128x48xf32>, vector<1000x48xf32> -> vector<1000x48xf32>
    %swap3A_27 = arith.constant 0 : index
    %swap3A_28 = arith.constant 0 : index
    %swap3A_29 = vector.load %arg8[%swap3A_27, %swap3A_28] : memref<1000x48xf32, #tpu.memory_space<vmem>>, vector<1000x48xf32>
    tpu.vector_store %arg8[%swap3A_27, %swap3A_28], %dot_general3A_26 {strides = array<i32>} : memref<1000x48xf32, #tpu.memory_space<vmem>>, vector<1000x48xf32>,
    return
  }
  func.func @transform_0(%arg0: i32) -> (i32, i32) {
    %c0_i32 = arith.constant 0 : i32
    %c0_i32_0 = arith.constant 0 : i32
    return %arg0, %c0_i32 : i32, i32
  }
  func.func @transform_1(%arg0: i32) -> (i32, i32) {
    %c0_i32 = arith.constant 0 : i32
    %c0_i32_0 = arith.constant 0 : i32
    return %arg0, %c0_i32 : i32, i32
  }
  func.func @transform_2(%arg0: i32) -> (i32, i32) {
    %c0_i32 = arith.constant 0 : i32
    %c0_i32_0 = arith.constant 0 : i32
    return %arg0, %c0_i32 : i32, i32
  }
  func.func @transform_3(%arg0: i32) -> (i32, i32) {
    %c0_i32 = arith.constant 0 : i32
    %c0_i32_0 = arith.constant 0 : i32
    %c0_i32_1 = arith.constant 0 : i32
    return %c0_i32, %c0_i32_0 : i32, i32
  }
  func.func @transform_4(%arg0: i32) -> (i32, i32) {
    %c0_i32 = arith.constant 0 : i32
    %c0_i32_0 = arith.constant 0 : i32
    %c0_i32_1 = arith.constant 0 : i32
    return %c0_i32, %c0_i32_0 : i32, i32
  }
  func.func @transform_5(%arg0: i32) -> (i32, i32) {
    %c0_i32 = arith.constant 0 : i32
    %c0_i32_0 = arith.constant 0 : i32
    %c0_i32_1 = arith.constant 0 : i32
    return %c0_i32, %c0_i32_0 : i32, i32
  }
  func.func @transform_6(%arg0: i32) -> (i32, i32) {
    %c0_i32 = arith.constant 0 : i32
    %c0_i32_0 = arith.constant 0 : i32
    return %arg0, %c0_i32 : i32, i32
  }
  func.func @transform_7(%arg0: i32) -> (i32, i32) {
    %c0_i32 = arith.constant 0 : i32
    %c0_i32_0 = arith.constant 0 : i32
    return %arg0, %c0_i32 : i32, i32
  }
}

module attributes {stable_mosaic.version = 14 : i64} {
  func.func @body(%arg0: i32, %arg1: memref<1000x48xf32, #tpu.memory_space<vmem>>, %arg2: memref<1000x48xf32, #tpu.memory_space<vmem>>, %arg3: memref<1000x48xf32, #tpu.memory_space<vmem>>, %arg4: memref<1000x47xf32, #tpu.memory_space<vmem>>) attributes {dimension_semantics = [#tpu.dimension_semantics<arbitrary>], iteration_bounds = array<i64: 10>, scalar_prefetch = 0 : i64, scratch_operands = 0 : i64, tpu.core_type = #tpu.core_type<tc>, window_params = [{transform_indices = @transform_0, window_bounds = array<i64: 1000, 48>}, {transform_indices = @transform_1, window_bounds = array<i64: 1000, 48>}, {transform_indices = @transform_2, window_bounds = array<i64: 1000, 48>}, {transform_indices = @transform_3, window_bounds = array<i64: 1000, 47>}]} {
    %get3A = arith.constant 0 : index
    %get3A_0 = arith.constant 0 : index
    %get3A_1 = vector.load %arg1[%get3A, %get3A_0] : memref<1000x48xf32, #tpu.memory_space<vmem>>, vector<1000x48xf32>
    %get3A_2 = arith.constant 0 : index
    %get3A_3 = arith.constant 0 : index
    %get3A_4 = vector.load %arg2[%get3A_2, %get3A_3] : memref<1000x48xf32, #tpu.memory_space<vmem>>, vector<1000x48xf32>
    %add3A = arith.addf %get3A_1, %get3A_4 : vector<1000x48xf32>
    %get3A_5 = arith.constant 0 : index
    %get3A_6 = arith.constant 0 : index
    %get3A_7 = vector.load %arg3[%get3A_5, %get3A_6] : memref<1000x48xf32, #tpu.memory_space<vmem>>, vector<1000x48xf32>
    %add3A_8 = arith.addf %add3A, %get3A_7 : vector<1000x48xf32>
    %iota3A = tpu.iota {dimensions = array<i32: 1>} : vector<1000x48xi32>
    %lt3A = arith.constant 47 : i32
    %lt3A_9 = vector.broadcast %lt3A : i32 to vector<1000x48xi32>
    %lt3A_10 = arith.cmpi slt, %iota3A, %lt3A_9 : vector<1000x48xi32>
    %jit3A = arith.constant 0xFF800000 : f32
    %broadcast_in_dim3A = vector.broadcast %jit3A : f32 to vector<1000x48xf32>
    %select_n3A = arith.select %lt3A_10, %add3A_8, %broadcast_in_dim3A : vector<1000x48xi1>, vector<1000x48xf32>
    %reduce_max3A = arith.constant dense<0xFF800000> : vector<1000xf32>
    %reduce_max3A_11 = vector.multi_reduction <maximumf>, %select_n3A, %reduce_max3A [1] : vector<1000x48xf32> to vector<1000xf32>
    %broadcast_in_dim3A_12 = vector.shape_cast %reduce_max3A_11 : vector<1000xf32> to vector<1000x1xf32>
    %sub3A = vector.broadcast %broadcast_in_dim3A_12 : vector<1000x1xf32> to vector<1000x48xf32>
    %sub3A_13 = arith.subf %add3A_8, %sub3A : vector<1000x48xf32>
    %exp3A = math.exp %sub3A_13 : vector<1000x48xf32>
    %jit3A_14 = arith.constant 0.000000e+00 : f32
    %broadcast_in_dim3A_15 = vector.broadcast %jit3A_14 : f32 to vector<1000x48xf32>
    %select_n3A_16 = arith.select %lt3A_10, %exp3A, %broadcast_in_dim3A_15 : vector<1000x48xi1>, vector<1000x48xf32>
    %reduce_sum3A = arith.constant dense<0.000000e+00> : vector<1000xf32>
    %reduce_sum3A_17 = vector.multi_reduction <add>, %select_n3A_16, %reduce_sum3A [1] : vector<1000x48xf32> to vector<1000xf32>
    %broadcast_in_dim3A_18 = vector.shape_cast %reduce_sum3A_17 : vector<1000xf32> to vector<1000x1xf32>
    %log3A = math.log %broadcast_in_dim3A_18 : vector<1000x1xf32>
    %add3A_19 = arith.addf %log3A, %broadcast_in_dim3A_12 : vector<1000x1xf32>
    %sub3A_20 = vector.broadcast %add3A_19 : vector<1000x1xf32> to vector<1000x48xf32>
    %sub3A_21 = arith.subf %add3A_8, %sub3A_20 : vector<1000x48xf32>
    %slice3A = vector.extract_strided_slice %sub3A_21 {offsets = [0, 0], sizes = [1000, 47], strides = [1, 1]} : vector<1000x48xf32> to vector<1000x47xf32>
    %swap3A = arith.constant 0 : index
    %swap3A_22 = arith.constant 0 : index
    %swap3A_23 = vector.load %arg4[%swap3A, %swap3A_22] : memref<1000x47xf32, #tpu.memory_space<vmem>>, vector<1000x47xf32>
    tpu.vector_store %arg4[%swap3A, %swap3A_22], %slice3A {strides = array<i32>} : memref<1000x47xf32, #tpu.memory_space<vmem>>, vector<1000x47xf32>,
    return
  }
  func.func @transform_0(%arg0: i32) -> (i32, i32) {
    %c0_i32 = arith.constant 0 : i32
    %c0_i32_0 = arith.constant 0 : i32
    return %arg0, %c0_i32 : i32, i32
  }
  func.func @transform_1(%arg0: i32) -> (i32, i32) {
    %c0_i32 = arith.constant 0 : i32
    %c0_i32_0 = arith.constant 0 : i32
    return %arg0, %c0_i32 : i32, i32
  }
  func.func @transform_2(%arg0: i32) -> (i32, i32) {
    %c0_i32 = arith.constant 0 : i32
    %c0_i32_0 = arith.constant 0 : i32
    return %arg0, %c0_i32 : i32, i32
  }
  func.func @transform_3(%arg0: i32) -> (i32, i32) {
    %c0_i32 = arith.constant 0 : i32
    %c0_i32_0 = arith.constant 0 : i32
    return %arg0, %c0_i32 : i32, i32
  }
}

</mosaic_0001>

<sc_bundles>
// kernel: kernel.12.cloned.1.call-start
scs
__scs_entry_jumppad:
0x0: {  	(pc) =	sbr.rel $0x88, $3  }
0x1: {  	(tag) =	ssettag $0x0;
	lr =	simm.s32 $0x1  }
0x2: {  	[smem:$0x3F99] =	sst lr;
	_ =	strace $0xD0000000  }
0x3: {  	_ = 	snop  }
0x4: {  	_ = 	snop  }
0x5: {  	_ = 	snop  }
0x6: {  	_ = 	snop  }
0x7: {  	_ = 	snop  }
__scs_overlays_trampoline_lowered:
0x8: {  	[smem:$0x3FA8] =	sst s0  }
0x9: {  	[smem:$0x3FA9] =	sst s1  }
0xa: {  	[smem:$0x3FAA] =	sst s2  }
0xb: {  	[smem:$0x3FAB] =	sst s3  }
0xc: {  	[smem:$0x3FAC] =	sst s4  }
0xd: {  	[smem:$0x3FAD] =	sst s5  }
0xe: {  	[smem:$0x3FAE] =	sst s6  }
0xf: {  	[smem:$0x3FAF] =	sst s7  }
0x10: {  	[smem:$0x3FB0] =	sst s8  }
0x11: {  	[smem:$0x3FB1] =	sst s9;
	s0 =	simm.s32 @!p0 $0x0  }
0x12: {  	s1 =	sld [smem:$0x3F97];
	s0 =	simm.s32 @p0 $0x1  }
0x13: {  	[smem:$0x3FB2] =	sst s0;
	s0 =	simm.s32 @!p1 $0x0  }
0x14: {  	s2 =	sld [smem:$0x3F96];
	s0 =	simm.s32 @p1 $0x1  }
0x15: {  	[smem:$0x3FB3] =	sst s0;
	s0 =	simm.s32 @!p2 $0x0  }
0x16: {  	s3 =	sld [smem:$0x3FDB];
	s0 =	simm.s32 @p2 $0x1  }
0x17: {  	s4 =	simm.s32 $0x1BF5;
	[smem:$0x3FB5] =	sst s0  }
0x18: {  	s0 =	sld [smem:$0x3F98];
	_ =	swait.ge [sflag:s4], $0x0  }
0x19: {  	s7 =	sld [smem:$0x3F99]  }
0x1a: {  	s8 =	sadd.s32 $0xFFFFE003, lr  }
0x1b: {  	s9 =	sadd.s32 $0xFFFFFEF7, lr;
	s5 =	simm.s32 $0xFFFFFFFF;
	p2 =	slt.u32 s8, $0xFFFFF086  }
0x1c: {  	p1 =	slt.u32 s9, $0xF7A;
	s5 =	simm.s32 @!p2 $0x0  }
0x1d: {  	s5 =	simm.s32 @p1 $0x1;
	p0 =	seq.s32 s7, s2  }
0x1e: {  	s7 =	smul.u32 @!p0 $0xF7A, s2;
	p2 =	seq.s32 @!p0 s5, $0x0  }
0x1f: {  	s9 =	smul.u32 $0xF7A, s1;
	s8 =	simm.s32 @!p0 $0x1BF5;
	p2 =	por !p2, p0  }
0x20: {  	[sflag:s8] =	ssyncset.s32 @!p0 $0xFFFFF086;
	s6 =	sadd.s32 @!p0 s3, s7;
	s7 =	simm.s32 @!p0 $0x108  }
0x21: {  	s3 =	sadd.s32 s3, s9;
	s6 =	sadd.s32 @!p0 $0x88, s6;
	s7 =	simm.s32 @p2 $0x1082  }
0x22: {  	[simem:s7], [sflag:s8] =	dma.local @!p0 [hbm:s6], $0xF7A  }
0x23: {  	s9 =	sor.u32 $0xD0000000, s2;
	s6 =	simm.s32 $0x108;
	_ =	swait.ge @!p0 [sflag:s8], $0x0  }
0x24: {  	s3 =	sadd.s32 $0x88, s3;
	s6 =	simm.s32 @!p1 $0x1082;
	[sflag:s4] =	ssyncset.s32 $0xFFFFF086  }
0x25: {  	[simem:s6], [sflag:s4] =	dma.local [hbm:s3], $0xF7A  }
0x26: {  	[smem:$0x3F99] =	sst s1;
	(tag) =	ssettag s2;
	_ =	strace s9  }
0x27: {  	s1 =	sld [smem:$0x3FA9]  }
0x28: {  	s2 =	sld [smem:$0x3FAA]  }
0x29: {  	s4 =	sld [smem:$0x3FAC]  }
0x2a: {  	p0 =	seq.s32 s5, $0x0;
	s5 =	sld [smem:$0x3FAD]  }
0x2b: {  	s6 =	sld [smem:$0x3FAE]  }
0x2c: {  	s7 =	sld [smem:$0x3FAF]  }
0x2d: {  	s3 =	simm.s32 $0x108;
	s8 =	sld [smem:$0x3FB0]  }
0x2e: {  	s3 =	simm.s32 @!p0 $0x1082;
	s9 =	sld [smem:$0x3FB1]  }
0x2f: {  	lr =	sadd.s32 s0, s3;
	s0 =	sld [smem:$0x3FA8]  }
0x30: {  	s3 =	sld [smem:$0x3FAB]  }
0x31: {  	[smem:$0x3FB4] =	sst s10  }
0x32: {  	s10 =	sld [smem:$0x3FB2];
	_ =	sdelay $0x3  }
0x33: {  	p0 =	seq.s32 s10, $0x1;
	s10 =	sld [smem:$0x3FB4];
	_ =	sdelay $0x3  }
0x34: {  	[smem:$0x3FB4] =	sst s10  }
0x35: {  	s10 =	sld [smem:$0x3FB3];
	_ =	sdelay $0x3  }
0x36: {  	p1 =	seq.s32 s10, $0x1;
	s10 =	sld [smem:$0x3FB4];
	_ =	sdelay $0x3  }
0x37: {  	[smem:$0x3FB4] =	sst s10  }
0x38: {  	s10 =	sld [smem:$0x3FB5]  }
0x39: {  	_ = 	snop;
	(pc) =	sbr.ind lr, $3  }
0x3a: {  	_ = 	snop  }
0x3b: {  	_ = 	snop  }
0x3c: {  	p2 =	seq.s32 s10, $0x1;
	s10 =	sld [smem:$0x3FB4]  }
0x3d: {  	_ =	shalt  }
0x3e: {  	_ =	shalt  }
0x3f: {  	_ =	shalt  }
0x40: {  	_ =	shalt  }
0x41: {  	_ =	shalt  }
0x42: {  	_ =	shalt  }
0x43: {  	_ =	shalt  }
0x44: {  	_ =	shalt  }
0x45: {  	_ =	shalt  }
0x46: {  	_ =	shalt  }
0x47: {  	_ =	shalt  }
0x48: {  	_ =	shalt  }
0x49: {  	_ =	shalt  }
0x4a: {  	_ =	shalt  }
0x4b: {  	_ =	shalt  }
0x4c: {  	_ =	shalt  }
0x4d: {  	_ =	shalt  }
0x4e: {  	_ =	shalt  }
0x4f: {  	_ =	shalt  }
0x50: {  	_ =	shalt  }
0x51: {  	_ =	shalt  }
0x52: {  	_ =	shalt  }
0x53: {  	_ =	shalt  }
0x54: {  	_ =	shalt  }
0x55: {  	_ =	shalt  }
0x56: {  	_ =	shalt  }
0x57: {  	_ =	shalt  }
0x58: {  	_ =	shalt  }
0x59: {  	_ =	shalt  }
0x5a: {  	_ =	shalt  }
0x5b: {  	_ =	shalt  }
0x5c: {  	_ =	shalt  }
0x5d: {  	_ =	shalt  }
0x5e: {  	_ =	shalt  }
0x5f: {  	_ =	shalt  }
0x60: {  	_ =	shalt  }
0x61: {  	_ =	shalt  }
0x62: {  	_ =	shalt  }
0x63: {  	_ =	shalt  }
0x64: {  	_ =	shalt  }
0x65: {  	_ =	shalt  }
0x66: {  	_ =	shalt  }
0x67: {  	_ =	shalt  }
0x68: {  	_ =	shalt  }
0x69: {  	_ =	shalt  }
0x6a: {  	_ =	shalt  }
0x6b: {  	_ =	shalt  }
0x6c: {  	_ =	shalt  }
0x6d: {  	_ =	shalt  }
0x6e: {  	_ =	shalt  }
0x6f: {  	_ =	shalt  }
0x70: {  	_ =	shalt  }
0x71: {  	_ =	shalt  }
0x72: {  	_ =	shalt  }
0x73: {  	_ =	shalt  }
0x74: {  	_ =	shalt  }
0x75: {  	_ =	shalt  }
0x76: {  	_ =	shalt  }
0x77: {  	_ =	shalt  }
0x78: {  	_ =	shalt  }
0x79: {  	_ =	shalt  }
0x7a: {  	_ =	shalt  }
0x7b: {  	_ =	shalt  }
0x7c: {  	_ =	shalt  }
0x7d: {  	_ =	shalt  }
0x7e: {  	_ =	shalt  }
0x7f: {  	_ =	shalt  }
0x80: {  	_ =	shalt  }
0x81: {  	_ =	shalt  }
0x82: {  	_ =	shalt  }
0x83: {  	_ =	shalt  }
0x84: {  	_ =	shalt  }
0x85: {  	_ =	shalt  }
0x86: {  	_ =	shalt  }
0x87: {  	_ =	shalt  }
.Lfunc_end0:
.L_simem_size_0:
called_computation.1_lowered:
.L_overlay_start_0:
0x88: {  	s2 =	sld [smem:$0x3FD9]  }
0x89: {  	s3 =	sld [smem:$0x3FFE];
	_ =	sdelay $0x1  }
0x8a: {  	s1 =	srdreg.scid  }
0x8b: {  	s0 =	sand.u32 $0x1, s1  }
0x8c: {  	s16 =	sshll.u32 s0, $0xA;
	s2 =	sadd.s32 s3, s2  }
0x8d: {  	s2 =	sadd.s32 s2, s16  }
0x8e: {  	[smem:$0x3FC0] =	sst s2  }
0x8f: {  	_ = 	snop  }
0x90: {  	(tm) =	ssettm $0x1  }
0x91: {  	s17 =	sld [smem:$0x3FFB];
	_ =	sdelay $0x3  }
0x92: {  	_ =	strace s17  }
0x93: {  	s2 =	sld [smem:$0x3FFC];
	_ =	sdelay $0x3  }
0x94: {  	_ =	strace s2  }
0x95: {  	s2 =	sld [smem:$0x3FFD];
	_ =	sdelay $0x3  }
0x96: {  	_ =	strace s2  }
0x97: {  	_ =	strace $0x8FFFFFFF  }
0x98: {  	s18 =	sld [smem:$0x3FDB];
	_ =	sdelay $0x1  }
0x99: {  	s19 =	simm.s32 $_scs_section_size  }
0x9a: {  	s4 =	simm.s32 $_size__tile_overlayer_lowered;
	s5 =	simm.s32 $_tile_overlayer_lowered  }
0x9b: {  	s22 =	simm.s32 $0x1BFF;
	s21 =	sshll.u32 s5, $0x1;
	s2 =	sadd.s32 s19, s18  }
0x9c: {  	s6 =	simm.s32 $0x0;
	s20 =	sshll.u32 s4, $0x1;
	s4 =	sadd.s32 s21, s2  }
0x9d: {  	[timem:s6], [sflag:s22] =	dma.local [hbm:s4], s20  }
0x9e: {  	_ =	swait.ge [sflag:s22], s20  }
0x9f: {  	s3 =	ssub.s32 $0x0, s20;
	[sflag:s22] =	ssyncset.done $0x0  }
0xa0: {  	[sflag:s22] =	ssyncadd.s32 s3;
	_ =	sdelay $0x1  }
0xa1: {  	s23 =	simm.s32 $0x1B8B  }
0xa2: {  	_ =	swait.ge [sflag:s23], $0x1  }
0xa3: {  	[sflag:s23] =	ssyncset.done $0x0  }
0xa4: {  	s25 =	simm.s32 $0x1B8E;
	s24 =	sld [smem:$0x3FFE];
	[sflag:s23] =	ssyncadd.s32 $0xFFFFFFFF  }
0xa5: {  	s26 =	simm.s32 $execute0_lowered;
	[smem:$0x3FD2] =	sst s25  }
0xa6: {  	s4 =	sshll.u32 s26, $0x1;
	_ =	strace $0x80000049;
	[dreg:$0x1] =	wrdreg $0xFFFFFFFF  }
0xa7: {  	s28 =	simm.s32 $_size_execute0_lowered;
	s2 =	sadd.s32 s2, s4;
	[dreg:$0x0] =	wrdreg $0x0  }
0xa8: {  	s4 =	sshll.u32 s28, $0x1;
	[dreg:$0x2] =	wrdreg s2  }
0xa9: {  	[dreg:$0x3] =	wrdreg s4  }
0xaa: {  	[dreg:$0x4] =	wrdreg $0xC0  }
0xab: {  	_ =	task [dreg:s6], $0x5FFFF  }
0xac: {  	[dreg:$0x1] =	wrdreg $0xFFFFFFFF  }
0xad: {  	[dreg:$0x0] =	wrdreg $0x60  }
0xae: {  	[dreg:$0x2] =	wrdreg s24  }
0xaf: {  	[dreg:$0x3] =	wrdreg $0x41000  }
0xb0: {  	[dreg:$0x4] =	wrdreg $0x9  }
0xb1: {  	_ =	task.clear_ibuf [dreg:s6], $0x5FFFF;
	_ =	strace $0x90000049  }
0xb2: {  	s29 =	simm.s32 $0x9;
	_ =	strace $0x8000004B  }
0xb3: {  	_ =	swait.ge [sflag:s29], $0x1  }
0xb4: {  	[sflag:s29] =	ssyncadd.s32 $0xFFFFFFFF  }
0xb5: {  	_ =	strace $0x9000004B  }
0xb6: {  	_ =	sfence  }
0xb7: {  	s30 =	sld [smem:$0x0];
	_ =	sdelay $0x2  }
0xb8: {  	s31 =	sshll.u32 s1, $0xD;
	s1 =	sshrl.u32 s1, $0x2  }
0xb9: {  	s3 =	sand.u32 $0x4000, s31;
	s1 =	sadd.s32 s1, s30  }
0xba: {  	s0 =	sor.u32 s3, s0;
	s1 =	sshll.u32 s1, $0x11  }
0xbb: {  	s0 =	sor.u32 s1, s0  }
0xbc: {  	s0 =	sadd.s32 $0x8F2B, s0  }
0xbd: {  	[sflag:s0] =	ssyncadd.remote.s32 $0x1  }
0xbe: {  	_ =	sfence.sel $0xFFFF  }
0xbf: {  	[dreg:$0x0] =	wrdreg $0xFFFFFFFF;
	(pc) =	sbr.abs _section_cstart, $3  }
0xc0: {  	[dreg:$0x1] =	wrdreg $0xFFFFFFFF  }
0xc1: {  	_ =	task.clear_ibuf [dreg:s6], $0x2FFFF;
	_ =	strace $0x9FFFFFFF  }
0xc2: {  	(tm) =	ssettm $0x7FFFFFFF  }
0xc3: {  	_ =	shalt  }
tec
execute0_lowered:
.L_overlay_start_1:
0x0: {  	(tag) =	ssettag $0x1  }
0x1: {  	s1 =	srdreg.scid  }
0x2: {  	s0 =	stileid.u32;
	s5 =	rddreg [dreg:$0x0]  }
0x3: {  	s2 =	rddreg [dreg:$0x1];
	s3 =	simm.s32 $0x0;
	s13 =	simm.s32 $0x80  }
0x4: {  	s14 =	simm.s32 $0x100;
	s15 =	simm.s32 $0x1;
	s16 =	simm.s32 $0x0  }
0x5: {  	s6 =	sand.u32 $0x1, s1;
	s4 =	smul.u32 $0x2780, s0;
	s1 =	rddreg [dreg:$0x2]  }
0x6: {  	[smem:$0x7FF] =	sst s3;
	s8 =	smul.u32 $0x13C00, s0;
	s31 =	sshll.u32 s0, $0x6  }
0x7: {  	s7 =	smul.u32 $0x27800, s6;
	_ =	strace $0x8000004A;
	s6 =	ssub.s32 $0x2, s6  }
0x8: {  	s29 =	sshrl.u32 s8, $0x3;
	s30 =	sshrl.u32 s6, $0x1;
	s12 =	sadd.s32 s8, s2  }
0x9: {  	s7 =	sadd.s32 s4, s7;
	s4 =	sadd.s32 $0x16800, s5;
	s11 =	ssub.s32 s6, s30  }
0xa: {  	s6 =	sor.u32 $0x1C02, s31;
	s9 =	sshrl.u32 s7, $0x3;
	s7 =	sadd.s32 s7, s5  }
0xb: {  	s8 =	smax.u32 s11, $0x1;
	s11 =	sshrl.u32 s12, $0x3;
	s12 =	simm.s32 $0x2  }
0xc: {  	s10 =	sadd.s32 s9, s5;
	s9 =	sadd.s32 s29, s5;
	s7 =	sadd.s32 $0x65200, s7  }
0xd: {  	s5 =	sadd.s32 $0x3DA00, s9;
	s9 =	sadd.s32 $0x2C00, s10;
	s10 =	sadd.s32 $0xCA00, s10  }
.LBB2_1:
0xe: {  	[spmem:s11], [sflag:s6] =	dma.local [hbm:s5], $0x2780  }
0xf: {  	_ =	swait.ge [sflag:s12], $0x2780  }
0x10: {  	[sflag:s12] =	ssyncset.done $0x0  }
0x11: {  	[sflag:s12] =	ssyncadd.s32 $0xFFFFD880  }
0x12: {  	s17 =	sadd.s32 $0x0, s10;
	[bflag:$0x0] =	sbarrier.arrive $0xFFFF  }
0x13: {  	[tilespmem:s3], [sflag:$0x2] =	stream.linear.gather [hbm4b:s17+s3], $0x80, $0x38;
	[tilespmem:$0x17D00] =	vst v63  }
0x14: {  	_ =	swait.ge [sflag:s12], $0x80  }
0x15: {  	[sflag:s12] =	ssyncset.done $0x0  }
0x16: {  	s31 =	sadd.s32 $0x0, s9;
	[sflag:s12] =	ssyncadd.s32 $0xFFFFFF80  }
0x17: {  	[tilespmem:s13], [sflag:$0x2] =	stream.linear.gather [hbm4b:s31+s3], $0x80, $0x38;
	[tilespmem:$0x17D00] =	vst v63  }
0x18: {  	_ =	swait.ge [sflag:s12], $0x80  }
0x19: {  	[sflag:s12] =	ssyncset.done $0x0  }
0x1a: {  	[sflag:s12] =	ssyncadd.s32 $0xFFFFFF80  }
0x1b: {  	[tilespmem:s14], [sflag:$0x1] =	stream.indirect.gather [hbm4b:s4+s13], $0x80, s3, s13, $0xb8;
	[tilespmem:$0x17D00] =	vst v63  }
0x1c: {  	_ =	swait.ge [sflag:s15], $0x4000  }
0x1d: {  	[sflag:s15] =	ssyncset.done $0x0  }
0x1e: {  	[sflag:s15] =	ssyncadd.s32 $0xFFFFC000  }
0x1f: {  	[spmem:s2] =	stream.indirect.scatter.add.f32 [tilespmem:s14], [sflag:$0x2], $0x80, s13, s13, $0xb8;
	[tilespmem:$0x17D00] =	vst v63  }
0x20: {  	_ =	swait.ge [sflag:s12], $0x4000  }
0x21: {  	s18 =	simm.s32 $0x20;
	s17 =	simm.s32 $0x10;
	[sflag:s12] =	ssyncset.done $0x0  }
.LBB2_2:
0x22: {  	s19 =	sadd.s32 s17, s10  }
0x23: {  	[sflag:s12] =	ssyncadd.s32 $0xFFFFC000;
	s20 =	smov.u32 s18;
	s21 =	sadd.s32 $0x10, s18  }
0x24: {  	[tilespmem:s3], [sflag:$0x2] =	stream.linear.gather [hbm4b:s19+s3], $0x80, $0x38;
	[tilespmem:$0x17D00] =	vst v63  }
0x25: {  	p0 =	sne.s32 s18, $0x4E0;
	_ =	swait.ge [sflag:s12], $0x80  }
0x26: {  	[sflag:s12] =	ssyncset.done $0x0  }
0x27: {  	s18 =	sadd.s32 s17, s9;
	s17 =	smov.u32 s20;
	[sflag:s12] =	ssyncadd.s32 $0xFFFFFF80  }
0x28: {  	[tilespmem:s13], [sflag:$0x2] =	stream.linear.gather [hbm4b:s18+s3], $0x80, $0x38;
	[tilespmem:$0x17D00] =	vst v63  }
0x29: {  	_ =	swait.ge [sflag:s12], $0x80  }
0x2a: {  	[sflag:s12] =	ssyncset.done $0x0  }
0x2b: {  	[sflag:s12] =	ssyncadd.s32 $0xFFFFFF80  }
0x2c: {  	[tilespmem:s14], [sflag:$0x1] =	stream.indirect.gather [hbm4b:s4+s13], $0x80, s3, s13, $0xb8;
	[tilespmem:$0x17D00] =	vst v63  }
0x2d: {  	_ =	swait.ge [sflag:s15], $0x4000  }
.Ltmp0:
0x2e: {  	[sflag:s15] =	ssyncset.done $0x0;
	(pc) =	sbr.rel @p0 .LBB2_2-.Ltmp0, $4  }
0x2f: {  	[sflag:s15] =	ssyncadd.s32 $0xFFFFC000  }
0x30: {  	[spmem:s2] =	stream.indirect.scatter.add.f32 [tilespmem:s14], [sflag:$0x2], $0x80, s13, s13, $0xb8;
	[tilespmem:$0x17D00] =	vst v63  }
0x31: {  	_ =	swait.ge [sflag:s12], $0x4000  }
0x32: {  	s18 =	smov.u32 s21;
	[sflag:s12] =	ssyncset.done $0x0  }
0x33: {  	s18 =	sadd.s32 s17, s10;
	[sflag:s12] =	ssyncadd.s32 $0xFFFFC000  }
0x34: {  	[tilespmem:s3], [sflag:$0x2] =	stream.linear.gather [hbm4b:s18+s3], $0x80, $0x38;
	[tilespmem:$0x17D00] =	vst v63  }
0x35: {  	_ =	swait.ge [sflag:s12], $0x80  }
0x36: {  	[sflag:s12] =	ssyncset.done $0x0  }
0x37: {  	s31 =	sadd.s32 s17, s9;
	[sflag:s12] =	ssyncadd.s32 $0xFFFFFF80  }
0x38: {  	[tilespmem:s13], [sflag:$0x2] =	stream.linear.gather [hbm4b:s31+s3], $0x80, $0x38;
	[tilespmem:$0x17D00] =	vst v63  }
0x39: {  	_ =	swait.ge [sflag:s12], $0x80  }
0x3a: {  	[sflag:s12] =	ssyncset.done $0x0  }
0x3b: {  	[sflag:s12] =	ssyncadd.s32 $0xFFFFFF80  }
0x3c: {  	[tilespmem:s14], [sflag:$0x1] =	stream.indirect.gather [hbm4b:s4+s13], $0x80, s3, s13, $0xb8;
	[tilespmem:$0x17D00] =	vst v63  }
0x3d: {  	_ =	swait.ge [sflag:s15], $0x4000  }
0x3e: {  	[sflag:s15] =	ssyncset.done $0x0  }
0x3f: {  	[sflag:s15] =	ssyncadd.s32 $0xFFFFC000  }
0x40: {  	[spmem:s2] =	stream.indirect.scatter.add.f32 [tilespmem:s14], [sflag:$0x2], $0x80, s13, s13, $0xb8;
	[tilespmem:$0x17D00] =	vst v63  }
0x41: {  	_ =	swait.ge [sflag:s12], $0x4000  }
0x42: {  	s16 =	sadd.s32 $0x1, s16;
	[sflag:s12] =	ssyncset.done $0x0  }
0x43: {  	p0 =	sne.s32 s16, s8;
	[sflag:s12] =	ssyncadd.s32 $0xFFFFC000  }
.Ltmp1:
0x44: {  	[bflag:$0x0] =	sbarrier.arrive $0xFFFF;
	(pc) =	sbr.rel @p0 .LBB2_1-.Ltmp1, $4  }
0x45: {  	[hbm:s7], [sflag:s6] =	dma.local [spmem:s11], $0x2780  }
0x46: {  	_ =	swait.ge [sflag:s12], $0x2780  }
0x47: {  	[sflag:s12] =	ssyncset.done $0x0  }
0x48: {  	[sflag:s12] =	ssyncadd.s32 $0xFFFFD880  }
0x49: {  	_ =	sfence.sel $0x180000  }
0x4a: {  	[bflag:$0x0] =	sbarrier.arrive $0xFFFF  }
0x4b: {  	p0 =	sne.s32 s0, $0x0;
	_ =	strace $0x9000004A  }
0x4c: {  	s0 =	sadd.s32 @!p0 $0x100000, s1;
	[bflag:$0x2] =	sbarrier.arrive $0xFFFF  }
0x4d: {  	[sflag:s0] =	ssyncadd.tile.s32 @!p0 $0x1;
	_ =	shalt  }
.Lfunc_end2:
_tile_overlayer_lowered:
.L_overlay_start_2:
0x4e: {  	(tag) =	ssettag $0x2  }
0x4f: {  	s0 =	rddreg [dreg:$0x0];
	s2 =	stileid.u32  }
0x50: {  	s1 =	rddreg [dreg:$0x1];
	p0 =	sne.s32 s2, $0x0  }
0x51: {  	s3 =	rddreg [dreg:$0x2];
	[bflag:$0x3] =	sbarrier.arrive $0xFFFF;
	s2 =	simm.s32 @!p0 $0x1C02  }
0x52: {  	[timem:s3], [sflag:s2] =	dma.local @!p0 [hbm:s0], s1  }
0x53: {  	s0 =	simm.s32 @!p0 $0x2  }
0x54: {  	_ =	swait.ge @!p0 [sflag:s0], s1  }
0x55: {  	s1 =	ssub.s32 @!p0 $0x0, s1;
	[sflag:s0] =	ssyncset.done @!p0 $0x0  }
0x56: {  	[sflag:s0] =	ssyncadd.s32 @!p0 s1  }
0x57: {  	[bflag:$0x3] =	sbarrier.arrive $0xFFFF  }
0x58: {  	_ =	shalt  }

// kernel: kernel.15.cloned.1.call-start
scs
__scs_entry_jumppad:
0x0: {  	(pc) =	sbr.rel $0x88, $3  }
0x1: {  	(tag) =	ssettag $0x0;
	lr =	simm.s32 $0x1  }
0x2: {  	[smem:$0x3F99] =	sst lr;
	_ =	strace $0xD0000000  }
0x3: {  	_ = 	snop  }
0x4: {  	_ = 	snop  }
0x5: {  	_ = 	snop  }
0x6: {  	_ = 	snop  }
0x7: {  	_ = 	snop  }
__scs_overlays_trampoline_lowered:
0x8: {  	[smem:$0x3FA8] =	sst s0  }
0x9: {  	[smem:$0x3FA9] =	sst s1  }
0xa: {  	[smem:$0x3FAA] =	sst s2  }
0xb: {  	[smem:$0x3FAB] =	sst s3  }
0xc: {  	[smem:$0x3FAC] =	sst s4  }
0xd: {  	[smem:$0x3FAD] =	sst s5  }
0xe: {  	[smem:$0x3FAE] =	sst s6  }
0xf: {  	[smem:$0x3FAF] =	sst s7  }
0x10: {  	[smem:$0x3FB0] =	sst s8  }
0x11: {  	[smem:$0x3FB1] =	sst s9;
	s0 =	simm.s32 @!p0 $0x0  }
0x12: {  	s1 =	sld [smem:$0x3F97];
	s0 =	simm.s32 @p0 $0x1  }
0x13: {  	[smem:$0x3FB2] =	sst s0;
	s0 =	simm.s32 @!p1 $0x0  }
0x14: {  	s2 =	sld [smem:$0x3F96];
	s0 =	simm.s32 @p1 $0x1  }
0x15: {  	[smem:$0x3FB3] =	sst s0;
	s0 =	simm.s32 @!p2 $0x0  }
0x16: {  	s3 =	sld [smem:$0x3FDB];
	s0 =	simm.s32 @p2 $0x1  }
0x17: {  	s4 =	simm.s32 $0x1BF5;
	[smem:$0x3FB5] =	sst s0  }
0x18: {  	s0 =	sld [smem:$0x3F98];
	_ =	swait.ge [sflag:s4], $0x0  }
0x19: {  	s7 =	sld [smem:$0x3F99]  }
0x1a: {  	s8 =	sadd.s32 $0xFFFFE003, lr  }
0x1b: {  	s9 =	sadd.s32 $0xFFFFFEF7, lr;
	s5 =	simm.s32 $0xFFFFFFFF;
	p2 =	slt.u32 s8, $0xFFFFF086  }
0x1c: {  	p1 =	slt.u32 s9, $0xF7A;
	s5 =	simm.s32 @!p2 $0x0  }
0x1d: {  	s5 =	simm.s32 @p1 $0x1;
	p0 =	seq.s32 s7, s2  }
0x1e: {  	s7 =	smul.u32 @!p0 $0xF7A, s2;
	p2 =	seq.s32 @!p0 s5, $0x0  }
0x1f: {  	s9 =	smul.u32 $0xF7A, s1;
	s8 =	simm.s32 @!p0 $0x1BF5;
	p2 =	por !p2, p0  }
0x20: {  	[sflag:s8] =	ssyncset.s32 @!p0 $0xFFFFF086;
	s6 =	sadd.s32 @!p0 s3, s7;
	s7 =	simm.s32 @!p0 $0x108  }
0x21: {  	s3 =	sadd.s32 s3, s9;
	s6 =	sadd.s32 @!p0 $0x88, s6;
	s7 =	simm.s32 @p2 $0x1082  }
0x22: {  	[simem:s7], [sflag:s8] =	dma.local @!p0 [hbm:s6], $0xF7A  }
0x23: {  	s9 =	sor.u32 $0xD0000000, s2;
	s6 =	simm.s32 $0x108;
	_ =	swait.ge @!p0 [sflag:s8], $0x0  }
0x24: {  	s3 =	sadd.s32 $0x88, s3;
	s6 =	simm.s32 @!p1 $0x1082;
	[sflag:s4] =	ssyncset.s32 $0xFFFFF086  }
0x25: {  	[simem:s6], [sflag:s4] =	dma.local [hbm:s3], $0xF7A  }
0x26: {  	[smem:$0x3F99] =	sst s1;
	(tag) =	ssettag s2;
	_ =	strace s9  }
0x27: {  	s1 =	sld [smem:$0x3FA9]  }
0x28: {  	s2 =	sld [smem:$0x3FAA]  }
0x29: {  	s4 =	sld [smem:$0x3FAC]  }
0x2a: {  	p0 =	seq.s32 s5, $0x0;
	s5 =	sld [smem:$0x3FAD]  }
0x2b: {  	s6 =	sld [smem:$0x3FAE]  }
0x2c: {  	s7 =	sld [smem:$0x3FAF]  }
0x2d: {  	s3 =	simm.s32 $0x108;
	s8 =	sld [smem:$0x3FB0]  }
0x2e: {  	s3 =	simm.s32 @!p0 $0x1082;
	s9 =	sld [smem:$0x3FB1]  }
0x2f: {  	lr =	sadd.s32 s0, s3;
	s0 =	sld [smem:$0x3FA8]  }
0x30: {  	s3 =	sld [smem:$0x3FAB]  }
0x31: {  	[smem:$0x3FB4] =	sst s10  }
0x32: {  	s10 =	sld [smem:$0x3FB2];
	_ =	sdelay $0x3  }
0x33: {  	p0 =	seq.s32 s10, $0x1;
	s10 =	sld [smem:$0x3FB4];
	_ =	sdelay $0x3  }
0x34: {  	[smem:$0x3FB4] =	sst s10  }
0x35: {  	s10 =	sld [smem:$0x3FB3];
	_ =	sdelay $0x3  }
0x36: {  	p1 =	seq.s32 s10, $0x1;
	s10 =	sld [smem:$0x3FB4];
	_ =	sdelay $0x3  }
0x37: {  	[smem:$0x3FB4] =	sst s10  }
0x38: {  	s10 =	sld [smem:$0x3FB5]  }
0x39: {  	_ = 	snop;
	(pc) =	sbr.ind lr, $3  }
0x3a: {  	_ = 	snop  }
0x3b: {  	_ = 	snop  }
0x3c: {  	p2 =	seq.s32 s10, $0x1;
	s10 =	sld [smem:$0x3FB4]  }
0x3d: {  	_ =	shalt  }
0x3e: {  	_ =	shalt  }
0x3f: {  	_ =	shalt  }
0x40: {  	_ =	shalt  }
0x41: {  	_ =	shalt  }
0x42: {  	_ =	shalt  }
0x43: {  	_ =	shalt  }
0x44: {  	_ =	shalt  }
0x45: {  	_ =	shalt  }
0x46: {  	_ =	shalt  }
0x47: {  	_ =	shalt  }
0x48: {  	_ =	shalt  }
0x49: {  	_ =	shalt  }
0x4a: {  	_ =	shalt  }
0x4b: {  	_ =	shalt  }
0x4c: {  	_ =	shalt  }
0x4d: {  	_ =	shalt  }
0x4e: {  	_ =	shalt  }
0x4f: {  	_ =	shalt  }
0x50: {  	_ =	shalt  }
0x51: {  	_ =	shalt  }
0x52: {  	_ =	shalt  }
0x53: {  	_ =	shalt  }
0x54: {  	_ =	shalt  }
0x55: {  	_ =	shalt  }
0x56: {  	_ =	shalt  }
0x57: {  	_ =	shalt  }
0x58: {  	_ =	shalt  }
0x59: {  	_ =	shalt  }
0x5a: {  	_ =	shalt  }
0x5b: {  	_ =	shalt  }
0x5c: {  	_ =	shalt  }
0x5d: {  	_ =	shalt  }
0x5e: {  	_ =	shalt  }
0x5f: {  	_ =	shalt  }
0x60: {  	_ =	shalt  }
0x61: {  	_ =	shalt  }
0x62: {  	_ =	shalt  }
0x63: {  	_ =	shalt  }
0x64: {  	_ =	shalt  }
0x65: {  	_ =	shalt  }
0x66: {  	_ =	shalt  }
0x67: {  	_ =	shalt  }
0x68: {  	_ =	shalt  }
0x69: {  	_ =	shalt  }
0x6a: {  	_ =	shalt  }
0x6b: {  	_ =	shalt  }
0x6c: {  	_ =	shalt  }
0x6d: {  	_ =	shalt  }
0x6e: {  	_ =	shalt  }
0x6f: {  	_ =	shalt  }
0x70: {  	_ =	shalt  }
0x71: {  	_ =	shalt  }
0x72: {  	_ =	shalt  }
0x73: {  	_ =	shalt  }
0x74: {  	_ =	shalt  }
0x75: {  	_ =	shalt  }
0x76: {  	_ =	shalt  }
0x77: {  	_ =	shalt  }
0x78: {  	_ =	shalt  }
0x79: {  	_ =	shalt  }
0x7a: {  	_ =	shalt  }
0x7b: {  	_ =	shalt  }
0x7c: {  	_ =	shalt  }
0x7d: {  	_ =	shalt  }
0x7e: {  	_ =	shalt  }
0x7f: {  	_ =	shalt  }
0x80: {  	_ =	shalt  }
0x81: {  	_ =	shalt  }
0x82: {  	_ =	shalt  }
0x83: {  	_ =	shalt  }
0x84: {  	_ =	shalt  }
0x85: {  	_ =	shalt  }
0x86: {  	_ =	shalt  }
0x87: {  	_ =	shalt  }
.Lfunc_end0:
.L_simem_size_0:
called_computation.2_lowered:
.L_overlay_start_0:
0x88: {  	s2 =	sld [smem:$0x3FD9]  }
0x89: {  	s3 =	sld [smem:$0x3FFE];
	_ =	sdelay $0x1  }
0x8a: {  	s1 =	srdreg.scid  }
0x8b: {  	s0 =	sand.u32 $0x1, s1  }
0x8c: {  	s17 =	sshll.u32 s0, $0xA;
	s2 =	sadd.s32 s3, s2  }
0x8d: {  	s2 =	sadd.s32 s2, s17  }
0x8e: {  	[smem:$0x3FC0] =	sst s2  }
0x8f: {  	_ = 	snop  }
0x90: {  	s2 =	sld [smem:$0x3FD0];
	(tm) =	ssettm $0x1  }
0x91: {  	s18 =	sld [smem:$0x3FFB];
	_ =	sdelay $0x3  }
0x92: {  	_ =	strace s18  }
0x93: {  	s3 =	sld [smem:$0x3FFC];
	_ =	sdelay $0x3  }
0x94: {  	_ =	strace s3  }
0x95: {  	s3 =	sld [smem:$0x3FFD];
	_ =	sdelay $0x3  }
0x96: {  	_ =	strace s3  }
0x97: {  	_ =	strace $0x8FFFFFFF  }
0x98: {  	s19 =	sld [smem:$0x3FDB];
	_ =	sdelay $0x1  }
0x99: {  	s4 =	simm.s32 $_scs_section_size  }
0x9a: {  	s5 =	simm.s32 $_size__tile_overlayer_lowered;
	s6 =	simm.s32 $_tile_overlayer_lowered  }
0x9b: {  	s22 =	simm.s32 $0x1BFF;
	s21 =	sshll.u32 s6, $0x1;
	s3 =	sadd.s32 s4, s19  }
0x9c: {  	s7 =	simm.s32 $0x0;
	s20 =	sshll.u32 s5, $0x1;
	s5 =	sadd.s32 s21, s3  }
0x9d: {  	[timem:s7], [sflag:s22] =	dma.local [hbm:s5], s20  }
0x9e: {  	_ =	swait.ge [sflag:s22], s20  }
0x9f: {  	s4 =	ssub.s32 $0x0, s20;
	[sflag:s22] =	ssyncset.done $0x0  }
0xa0: {  	[sflag:s22] =	ssyncadd.s32 s4;
	_ =	sdelay $0x1  }
0xa1: {  	s23 =	simm.s32 $0x1B8B  }
0xa2: {  	_ =	swait.ge [sflag:s23], $0x1  }
0xa3: {  	[sflag:s23] =	ssyncset.done $0x0  }
0xa4: {  	s25 =	simm.s32 $0x1B8E;
	s24 =	sld [smem:$0x3FFE];
	[sflag:s23] =	ssyncadd.s32 $0xFFFFFFFF  }
0xa5: {  	s26 =	simm.s32 $execute0_lowered;
	[smem:$0x3FD2] =	sst s25  }
0xa6: {  	s5 =	sshll.u32 s26, $0x1;
	_ =	strace $0x8000004C;
	[dreg:$0x1] =	wrdreg $0xFFFFFFFF  }
0xa7: {  	s28 =	simm.s32 $_size_execute0_lowered;
	s3 =	sadd.s32 s3, s5;
	[dreg:$0x0] =	wrdreg $0x0  }
0xa8: {  	s5 =	sshll.u32 s28, $0x1;
	[dreg:$0x2] =	wrdreg s3  }
0xa9: {  	[dreg:$0x3] =	wrdreg s5  }
0xaa: {  	[dreg:$0x4] =	wrdreg $0xC0  }
0xab: {  	_ =	task [dreg:s7], $0x5FFFF  }
0xac: {  	[dreg:$0x1] =	wrdreg $0xFFFFFFFF  }
0xad: {  	[dreg:$0x0] =	wrdreg $0x60  }
0xae: {  	[dreg:$0x2] =	wrdreg s24  }
0xaf: {  	[dreg:$0x3] =	wrdreg s2  }
0xb0: {  	[dreg:$0x4] =	wrdreg $0x19000  }
0xb1: {  	[dreg:$0x5] =	wrdreg $0x9  }
0xb2: {  	_ =	task.clear_ibuf [dreg:s7], $0x6FFFF;
	_ =	strace $0x9000004C  }
0xb3: {  	s29 =	simm.s32 $0x9;
	_ =	strace $0x8000004E  }
0xb4: {  	_ =	swait.ge [sflag:s29], $0x1  }
0xb5: {  	[sflag:s29] =	ssyncadd.s32 $0xFFFFFFFF  }
0xb6: {  	_ =	strace $0x9000004E  }
0xb7: {  	_ =	sfence  }
0xb8: {  	s30 =	sld [smem:$0x0];
	_ =	sdelay $0x2  }
0xb9: {  	s31 =	sshll.u32 s1, $0xD;
	s1 =	sshrl.u32 s1, $0x2  }
0xba: {  	s3 =	sand.u32 $0x4000, s31;
	s1 =	sadd.s32 s1, s30  }
0xbb: {  	s0 =	sor.u32 s3, s0;
	s1 =	sshll.u32 s1, $0x11  }
0xbc: {  	s0 =	sor.u32 s1, s0  }
0xbd: {  	s0 =	sadd.s32 $0x8F2B, s0  }
0xbe: {  	[sflag:s0] =	ssyncadd.remote.s32 $0x1  }
0xbf: {  	_ =	sfence.sel $0xFFFF  }
0xc0: {  	[dreg:$0x0] =	wrdreg $0xFFFFFFFF;
	(pc) =	sbr.abs _section_cstart, $3  }
0xc1: {  	[dreg:$0x1] =	wrdreg $0xFFFFFFFF  }
0xc2: {  	_ =	task.clear_ibuf [dreg:s7], $0x2FFFF;
	_ =	strace $0x9FFFFFFF  }
0xc3: {  	(tm) =	ssettm $0x7FFFFFFF  }
tec
execute0_lowered:
.L_overlay_start_1:
0x0: {  	(tag) =	ssettag $0x1  }
0x1: {  	s5 =	rddreg [dreg:$0x0]  }
0x2: {  	s6 =	rddreg [dreg:$0x1]  }
0x3: {  	s0 =	srdreg.scid;
	s1 =	stileid.u32  }
0x4: {  	s2 =	rddreg [dreg:$0x2];
	s8 =	smul.u32 $0x2780, s1  }
0x5: {  	s3 =	simm.s32 $0x0;
	s14 =	simm.s32 $0x100;
	s9 =	smul.u32 $0xED0, s1  }
0x6: {  	s15 =	simm.s32 $0x1;
	s7 =	sand.u32 $0x1, s0;
	s11 =	smul.u32 $0x7680, s1  }
0x7: {  	s16 =	simm.s32 $0x0;
	s0 =	rddreg [dreg:$0x3];
	s4 =	smul.u32 $0x27800, s7  }
0x8: {  	[smem:$0x7FF] =	sst s3;
	s10 =	smul.u32 $0xED00, s7;
	s7 =	ssub.s32 $0x2, s7  }
0x9: {  	s31 =	sshll.u32 s1, $0x6;
	_ =	strace $0x8000004D;
	s26 =	sshrl.u32 s7, $0x1  }
0xa: {  	s13 =	sadd.s32 s11, s2;
	s30 =	sshrl.u32 s11, $0x3;
	s8 =	sadd.s32 s8, s4  }
0xb: {  	s4 =	sadd.s32 $0x16800, s5;
	s9 =	sadd.s32 s9, s10;
	s29 =	ssub.s32 s7, s26  }
0xc: {  	s11 =	sshrl.u32 s13, $0x3;
	s13 =	simm.s32 $0x80;
	s8 =	sshrl.u32 s8, $0x3  }
0xd: {  	s28 =	sadd.s32 s9, s5;
	s12 =	sadd.s32 s8, s5;
	s5 =	sadd.s32 s6, s30  }
0xe: {  	s6 =	sor.u32 $0x1C02, s31;
	s7 =	sadd.s32 $0x25400, s28;
	s8 =	smax.u32 s29, $0x1  }
0xf: {  	s9 =	sadd.s32 $0x2C00, s12;
	s10 =	sadd.s32 $0xCA00, s12;
	s12 =	simm.s32 $0x2  }
.LBB2_1:
0x10: {  	[spmem:s11], [sflag:s6] =	dma.local [hbm:s5], $0xED0  }
0x11: {  	_ =	swait.ge [sflag:s12], $0xED0  }
0x12: {  	[sflag:s12] =	ssyncset.done $0x0  }
0x13: {  	[sflag:s12] =	ssyncadd.s32 $0xFFFFF130  }
0x14: {  	s17 =	sadd.s32 $0x0, s10;
	[bflag:$0x0] =	sbarrier.arrive $0xFFFF  }
0x15: {  	[tilespmem:s3], [sflag:$0x2] =	stream.linear.gather [hbm4b:s17+s3], $0x80, $0x38;
	[tilespmem:$0x8F80] =	vst v63  }
0x16: {  	_ =	swait.ge [sflag:s12], $0x80  }
0x17: {  	[sflag:s12] =	ssyncset.done $0x0  }
0x18: {  	s31 =	sadd.s32 $0x0, s9;
	[sflag:s12] =	ssyncadd.s32 $0xFFFFFF80  }
0x19: {  	[tilespmem:s13], [sflag:$0x2] =	stream.linear.gather [hbm4b:s31+s3], $0x80, $0x38;
	[tilespmem:$0x8F80] =	vst v63  }
0x1a: {  	_ =	swait.ge [sflag:s12], $0x80  }
0x1b: {  	[sflag:s12] =	ssyncset.done $0x0  }
0x1c: {  	[sflag:s12] =	ssyncadd.s32 $0xFFFFFF80  }
0x1d: {  	[tilespmem:s14], [sflag:$0x1] =	stream.indirect.gather [hbm4b:s4+s13], $0x30, s3, s13, $0xb8;
	[tilespmem:$0x8F80] =	vst v63  }
0x1e: {  	_ =	swait.ge [sflag:s15], $0x1800  }
0x1f: {  	[sflag:s15] =	ssyncset.done $0x0  }
0x20: {  	[sflag:s15] =	ssyncadd.s32 $0xFFFFE800  }
0x21: {  	[spmem:s2] =	stream.indirect.scatter.add.f32 [tilespmem:s14], [sflag:$0x2], $0x30, s13, s13, $0xb8;
	[tilespmem:$0x8F80] =	vst v63  }
0x22: {  	_ =	swait.ge [sflag:s12], $0x1800  }
0x23: {  	s18 =	simm.s32 $0x20;
	s17 =	simm.s32 $0x10;
	[sflag:s12] =	ssyncset.done $0x0  }
.LBB2_2:
0x24: {  	s19 =	sadd.s32 s17, s10  }
0x25: {  	[sflag:s12] =	ssyncadd.s32 $0xFFFFE800;
	s20 =	smov.u32 s18;
	s21 =	sadd.s32 $0x10, s18  }
0x26: {  	[tilespmem:s3], [sflag:$0x2] =	stream.linear.gather [hbm4b:s19+s3], $0x80, $0x38;
	[tilespmem:$0x8F80] =	vst v63  }
0x27: {  	p0 =	sne.s32 s18, $0x4E0;
	_ =	swait.ge [sflag:s12], $0x80  }
0x28: {  	[sflag:s12] =	ssyncset.done $0x0  }
0x29: {  	s18 =	sadd.s32 s17, s9;
	s17 =	smov.u32 s20;
	[sflag:s12] =	ssyncadd.s32 $0xFFFFFF80  }
0x2a: {  	[tilespmem:s13], [sflag:$0x2] =	stream.linear.gather [hbm4b:s18+s3], $0x80, $0x38;
	[tilespmem:$0x8F80] =	vst v63  }
0x2b: {  	_ =	swait.ge [sflag:s12], $0x80  }
0x2c: {  	[sflag:s12] =	ssyncset.done $0x0  }
0x2d: {  	[sflag:s12] =	ssyncadd.s32 $0xFFFFFF80  }
0x2e: {  	[tilespmem:s14], [sflag:$0x1] =	stream.indirect.gather [hbm4b:s4+s13], $0x30, s3, s13, $0xb8;
	[tilespmem:$0x8F80] =	vst v63  }
0x2f: {  	_ =	swait.ge [sflag:s15], $0x1800  }
.Ltmp0:
0x30: {  	[sflag:s15] =	ssyncset.done $0x0;
	(pc) =	sbr.rel @p0 .LBB2_2-.Ltmp0, $4  }
0x31: {  	[sflag:s15] =	ssyncadd.s32 $0xFFFFE800  }
0x32: {  	[spmem:s2] =	stream.indirect.scatter.add.f32 [tilespmem:s14], [sflag:$0x2], $0x30, s13, s13, $0xb8;
	[tilespmem:$0x8F80] =	vst v63  }
0x33: {  	_ =	swait.ge [sflag:s12], $0x1800  }
0x34: {  	s18 =	smov.u32 s21;
	[sflag:s12] =	ssyncset.done $0x0  }
0x35: {  	s18 =	sadd.s32 s17, s10;
	[sflag:s12] =	ssyncadd.s32 $0xFFFFE800  }
0x36: {  	[tilespmem:s3], [sflag:$0x2] =	stream.linear.gather [hbm4b:s18+s3], $0x80, $0x38;
	[tilespmem:$0x8F80] =	vst v63  }
0x37: {  	_ =	swait.ge [sflag:s12], $0x80  }
0x38: {  	[sflag:s12] =	ssyncset.done $0x0  }
0x39: {  	s31 =	sadd.s32 s17, s9;
	[sflag:s12] =	ssyncadd.s32 $0xFFFFFF80  }
0x3a: {  	[tilespmem:s13], [sflag:$0x2] =	stream.linear.gather [hbm4b:s31+s3], $0x80, $0x38;
	[tilespmem:$0x8F80] =	vst v63  }
0x3b: {  	_ =	swait.ge [sflag:s12], $0x80  }
0x3c: {  	[sflag:s12] =	ssyncset.done $0x0  }
0x3d: {  	[sflag:s12] =	ssyncadd.s32 $0xFFFFFF80  }
0x3e: {  	[tilespmem:s14], [sflag:$0x1] =	stream.indirect.gather [hbm4b:s4+s13], $0x30, s3, s13, $0xb8;
	[tilespmem:$0x8F80] =	vst v63  }
0x3f: {  	_ =	swait.ge [sflag:s15], $0x1800  }
0x40: {  	[sflag:s15] =	ssyncset.done $0x0  }
0x41: {  	[sflag:s15] =	ssyncadd.s32 $0xFFFFE800  }
0x42: {  	[spmem:s2] =	stream.indirect.scatter.add.f32 [tilespmem:s14], [sflag:$0x2], $0x30, s13, s13, $0xb8;
	[tilespmem:$0x8F80] =	vst v63  }
0x43: {  	_ =	swait.ge [sflag:s12], $0x1800  }
0x44: {  	s16 =	sadd.s32 $0x1, s16;
	[sflag:s12] =	ssyncset.done $0x0  }
0x45: {  	p0 =	sne.s32 s16, s8;
	[sflag:s12] =	ssyncadd.s32 $0xFFFFE800  }
.Ltmp1:
0x46: {  	[bflag:$0x0] =	sbarrier.arrive $0xFFFF;
	(pc) =	sbr.rel @p0 .LBB2_1-.Ltmp1, $4  }
0x47: {  	[hbm:s7], [sflag:s6] =	dma.local [spmem:s11], $0xED0  }
0x48: {  	_ =	swait.ge [sflag:s12], $0xED0  }
0x49: {  	[sflag:s12] =	ssyncset.done $0x0  }
0x4a: {  	[sflag:s12] =	ssyncadd.s32 $0xFFFFF130  }
0x4b: {  	_ =	sfence.sel $0x180000  }
0x4c: {  	[bflag:$0x0] =	sbarrier.arrive $0xFFFF  }
0x4d: {  	p0 =	sne.s32 s1, $0x0;
	_ =	strace $0x9000004D  }
0x4e: {  	s0 =	sadd.s32 @!p0 $0x100000, s0;
	[bflag:$0x2] =	sbarrier.arrive $0xFFFF  }
0x4f: {  	[sflag:s0] =	ssyncadd.tile.s32 @!p0 $0x1;
	_ =	shalt  }
.Lfunc_end2:
_tile_overlayer_lowered:
.L_overlay_start_2:
0x50: {  	(tag) =	ssettag $0x2  }
0x51: {  	s0 =	rddreg [dreg:$0x0];
	s2 =	stileid.u32  }
0x52: {  	s1 =	rddreg [dreg:$0x1];
	p0 =	sne.s32 s2, $0x0  }
0x53: {  	s3 =	rddreg [dreg:$0x2];
	[bflag:$0x3] =	sbarrier.arrive $0xFFFF;
	s2 =	simm.s32 @!p0 $0x1C02  }
0x54: {  	[timem:s3], [sflag:s2] =	dma.local @!p0 [hbm:s0], s1  }
0x55: {  	s0 =	simm.s32 @!p0 $0x2  }
0x56: {  	_ =	swait.ge @!p0 [sflag:s0], s1  }
0x57: {  	s1 =	ssub.s32 @!p0 $0x0, s1;
	[sflag:s0] =	ssyncset.done @!p0 $0x0  }
0x58: {  	[sflag:s0] =	ssyncadd.s32 @!p0 s1  }
0x59: {  	[bflag:$0x3] =	sbarrier.arrive $0xFFFF  }
0x5a: {  	_ =	shalt  }

// kernel: kernel.9.cloned.1.call-start
scs
__scs_entry_jumppad:
0x0: {  	(pc) =	sbr.rel $0x88, $3  }
0x1: {  	(tag) =	ssettag $0x0;
	lr =	simm.s32 $0x1  }
0x2: {  	[smem:$0x3F99] =	sst lr;
	_ =	strace $0xD0000000  }
0x3: {  	_ = 	snop  }
0x4: {  	_ = 	snop  }
0x5: {  	_ = 	snop  }
0x6: {  	_ = 	snop  }
0x7: {  	_ = 	snop  }
__scs_overlays_trampoline_lowered:
0x8: {  	[smem:$0x3FA8] =	sst s0  }
0x9: {  	[smem:$0x3FA9] =	sst s1  }
0xa: {  	[smem:$0x3FAA] =	sst s2  }
0xb: {  	[smem:$0x3FAB] =	sst s3  }
0xc: {  	[smem:$0x3FAC] =	sst s4  }
0xd: {  	[smem:$0x3FAD] =	sst s5  }
0xe: {  	[smem:$0x3FAE] =	sst s6  }
0xf: {  	[smem:$0x3FAF] =	sst s7  }
0x10: {  	[smem:$0x3FB0] =	sst s8  }
0x11: {  	[smem:$0x3FB1] =	sst s9;
	s0 =	simm.s32 @!p0 $0x0  }
0x12: {  	s1 =	sld [smem:$0x3F97];
	s0 =	simm.s32 @p0 $0x1  }
0x13: {  	[smem:$0x3FB2] =	sst s0;
	s0 =	simm.s32 @!p1 $0x0  }
0x14: {  	s2 =	sld [smem:$0x3F96];
	s0 =	simm.s32 @p1 $0x1  }
0x15: {  	[smem:$0x3FB3] =	sst s0;
	s0 =	simm.s32 @!p2 $0x0  }
0x16: {  	s3 =	sld [smem:$0x3FDB];
	s0 =	simm.s32 @p2 $0x1  }
0x17: {  	s4 =	simm.s32 $0x1BF5;
	[smem:$0x3FB5] =	sst s0  }
0x18: {  	s0 =	sld [smem:$0x3F98];
	_ =	swait.ge [sflag:s4], $0x0  }
0x19: {  	s7 =	sld [smem:$0x3F99]  }
0x1a: {  	s8 =	sadd.s32 $0xFFFFE003, lr  }
0x1b: {  	s9 =	sadd.s32 $0xFFFFFEF7, lr;
	s5 =	simm.s32 $0xFFFFFFFF;
	p2 =	slt.u32 s8, $0xFFFFF086  }
0x1c: {  	p1 =	slt.u32 s9, $0xF7A;
	s5 =	simm.s32 @!p2 $0x0  }
0x1d: {  	s5 =	simm.s32 @p1 $0x1;
	p0 =	seq.s32 s7, s2  }
0x1e: {  	s7 =	smul.u32 @!p0 $0xF7A, s2;
	p2 =	seq.s32 @!p0 s5, $0x0  }
0x1f: {  	s9 =	smul.u32 $0xF7A, s1;
	s8 =	simm.s32 @!p0 $0x1BF5;
	p2 =	por !p2, p0  }
0x20: {  	[sflag:s8] =	ssyncset.s32 @!p0 $0xFFFFF086;
	s6 =	sadd.s32 @!p0 s3, s7;
	s7 =	simm.s32 @!p0 $0x108  }
0x21: {  	s3 =	sadd.s32 s3, s9;
	s6 =	sadd.s32 @!p0 $0x88, s6;
	s7 =	simm.s32 @p2 $0x1082  }
0x22: {  	[simem:s7], [sflag:s8] =	dma.local @!p0 [hbm:s6], $0xF7A  }
0x23: {  	s9 =	sor.u32 $0xD0000000, s2;
	s6 =	simm.s32 $0x108;
	_ =	swait.ge @!p0 [sflag:s8], $0x0  }
0x24: {  	s3 =	sadd.s32 $0x88, s3;
	s6 =	simm.s32 @!p1 $0x1082;
	[sflag:s4] =	ssyncset.s32 $0xFFFFF086  }
0x25: {  	[simem:s6], [sflag:s4] =	dma.local [hbm:s3], $0xF7A  }
0x26: {  	[smem:$0x3F99] =	sst s1;
	(tag) =	ssettag s2;
	_ =	strace s9  }
0x27: {  	s1 =	sld [smem:$0x3FA9]  }
0x28: {  	s2 =	sld [smem:$0x3FAA]  }
0x29: {  	s4 =	sld [smem:$0x3FAC]  }
0x2a: {  	p0 =	seq.s32 s5, $0x0;
	s5 =	sld [smem:$0x3FAD]  }
0x2b: {  	s6 =	sld [smem:$0x3FAE]  }
0x2c: {  	s7 =	sld [smem:$0x3FAF]  }
0x2d: {  	s3 =	simm.s32 $0x108;
	s8 =	sld [smem:$0x3FB0]  }
0x2e: {  	s3 =	simm.s32 @!p0 $0x1082;
	s9 =	sld [smem:$0x3FB1]  }
0x2f: {  	lr =	sadd.s32 s0, s3;
	s0 =	sld [smem:$0x3FA8]  }
0x30: {  	s3 =	sld [smem:$0x3FAB]  }
0x31: {  	[smem:$0x3FB4] =	sst s10  }
0x32: {  	s10 =	sld [smem:$0x3FB2];
	_ =	sdelay $0x3  }
0x33: {  	p0 =	seq.s32 s10, $0x1;
	s10 =	sld [smem:$0x3FB4];
	_ =	sdelay $0x3  }
0x34: {  	[smem:$0x3FB4] =	sst s10  }
0x35: {  	s10 =	sld [smem:$0x3FB3];
	_ =	sdelay $0x3  }
0x36: {  	p1 =	seq.s32 s10, $0x1;
	s10 =	sld [smem:$0x3FB4];
	_ =	sdelay $0x3  }
0x37: {  	[smem:$0x3FB4] =	sst s10  }
0x38: {  	s10 =	sld [smem:$0x3FB5]  }
0x39: {  	_ = 	snop;
	(pc) =	sbr.ind lr, $3  }
0x3a: {  	_ = 	snop  }
0x3b: {  	_ = 	snop  }
0x3c: {  	p2 =	seq.s32 s10, $0x1;
	s10 =	sld [smem:$0x3FB4]  }
0x3d: {  	_ =	shalt  }
0x3e: {  	_ =	shalt  }
0x3f: {  	_ =	shalt  }
0x40: {  	_ =	shalt  }
0x41: {  	_ =	shalt  }
0x42: {  	_ =	shalt  }
0x43: {  	_ =	shalt  }
0x44: {  	_ =	shalt  }
0x45: {  	_ =	shalt  }
0x46: {  	_ =	shalt  }
0x47: {  	_ =	shalt  }
0x48: {  	_ =	shalt  }
0x49: {  	_ =	shalt  }
0x4a: {  	_ =	shalt  }
0x4b: {  	_ =	shalt  }
0x4c: {  	_ =	shalt  }
0x4d: {  	_ =	shalt  }
0x4e: {  	_ =	shalt  }
0x4f: {  	_ =	shalt  }
0x50: {  	_ =	shalt  }
0x51: {  	_ =	shalt  }
0x52: {  	_ =	shalt  }
0x53: {  	_ =	shalt  }
0x54: {  	_ =	shalt  }
0x55: {  	_ =	shalt  }
0x56: {  	_ =	shalt  }
0x57: {  	_ =	shalt  }
0x58: {  	_ =	shalt  }
0x59: {  	_ =	shalt  }
0x5a: {  	_ =	shalt  }
0x5b: {  	_ =	shalt  }
0x5c: {  	_ =	shalt  }
0x5d: {  	_ =	shalt  }
0x5e: {  	_ =	shalt  }
0x5f: {  	_ =	shalt  }
0x60: {  	_ =	shalt  }
0x61: {  	_ =	shalt  }
0x62: {  	_ =	shalt  }
0x63: {  	_ =	shalt  }
0x64: {  	_ =	shalt  }
0x65: {  	_ =	shalt  }
0x66: {  	_ =	shalt  }
0x67: {  	_ =	shalt  }
0x68: {  	_ =	shalt  }
0x69: {  	_ =	shalt  }
0x6a: {  	_ =	shalt  }
0x6b: {  	_ =	shalt  }
0x6c: {  	_ =	shalt  }
0x6d: {  	_ =	shalt  }
0x6e: {  	_ =	shalt  }
0x6f: {  	_ =	shalt  }
0x70: {  	_ =	shalt  }
0x71: {  	_ =	shalt  }
0x72: {  	_ =	shalt  }
0x73: {  	_ =	shalt  }
0x74: {  	_ =	shalt  }
0x75: {  	_ =	shalt  }
0x76: {  	_ =	shalt  }
0x77: {  	_ =	shalt  }
0x78: {  	_ =	shalt  }
0x79: {  	_ =	shalt  }
0x7a: {  	_ =	shalt  }
0x7b: {  	_ =	shalt  }
0x7c: {  	_ =	shalt  }
0x7d: {  	_ =	shalt  }
0x7e: {  	_ =	shalt  }
0x7f: {  	_ =	shalt  }
0x80: {  	_ =	shalt  }
0x81: {  	_ =	shalt  }
0x82: {  	_ =	shalt  }
0x83: {  	_ =	shalt  }
0x84: {  	_ =	shalt  }
0x85: {  	_ =	shalt  }
0x86: {  	_ =	shalt  }
0x87: {  	_ =	shalt  }
.Lfunc_end0:
.L_simem_size_0:
called_computation_lowered:
.L_overlay_start_0:
0x88: {  	s2 =	sld [smem:$0x3FD9]  }
0x89: {  	s3 =	sld [smem:$0x3FFE];
	_ =	sdelay $0x1  }
0x8a: {  	s1 =	srdreg.scid  }
0x8b: {  	s0 =	sand.u32 $0x1, s1  }
0x8c: {  	s16 =	sshll.u32 s0, $0xA;
	s2 =	sadd.s32 s3, s2  }
0x8d: {  	s2 =	sadd.s32 s2, s16  }
0x8e: {  	[smem:$0x3FC0] =	sst s2  }
0x8f: {  	_ = 	snop  }
0x90: {  	(tm) =	ssettm $0x1  }
0x91: {  	s17 =	sld [smem:$0x3FFB];
	_ =	sdelay $0x3  }
0x92: {  	_ =	strace s17  }
0x93: {  	s2 =	sld [smem:$0x3FFC];
	_ =	sdelay $0x3  }
0x94: {  	_ =	strace s2  }
0x95: {  	s2 =	sld [smem:$0x3FFD];
	_ =	sdelay $0x3  }
0x96: {  	_ =	strace s2  }
0x97: {  	_ =	strace $0x8FFFFFFF  }
0x98: {  	s18 =	sld [smem:$0x3FDB];
	_ =	sdelay $0x1  }
0x99: {  	s19 =	simm.s32 $_scs_section_size  }
0x9a: {  	s4 =	simm.s32 $_size__tile_overlayer_lowered;
	s5 =	simm.s32 $_tile_overlayer_lowered  }
0x9b: {  	s22 =	simm.s32 $0x1BFF;
	s21 =	sshll.u32 s5, $0x1;
	s2 =	sadd.s32 s19, s18  }
0x9c: {  	s6 =	simm.s32 $0x0;
	s20 =	sshll.u32 s4, $0x1;
	s4 =	sadd.s32 s21, s2  }
0x9d: {  	[timem:s6], [sflag:s22] =	dma.local [hbm:s4], s20  }
0x9e: {  	_ =	swait.ge [sflag:s22], s20  }
0x9f: {  	s3 =	ssub.s32 $0x0, s20;
	[sflag:s22] =	ssyncset.done $0x0  }
0xa0: {  	[sflag:s22] =	ssyncadd.s32 s3;
	_ =	sdelay $0x1  }
0xa1: {  	s23 =	simm.s32 $0x1B8B  }
0xa2: {  	_ =	swait.ge [sflag:s23], $0x1  }
0xa3: {  	[sflag:s23] =	ssyncset.done $0x0  }
0xa4: {  	s25 =	simm.s32 $0x1B8E;
	s24 =	sld [smem:$0x3FFE];
	[sflag:s23] =	ssyncadd.s32 $0xFFFFFFFF  }
0xa5: {  	s26 =	simm.s32 $execute0_lowered;
	[smem:$0x3FD2] =	sst s25  }
0xa6: {  	s4 =	sshll.u32 s26, $0x1;
	_ =	strace $0x80000046;
	[dreg:$0x1] =	wrdreg $0xFFFFFFFF  }
0xa7: {  	s28 =	simm.s32 $_size_execute0_lowered;
	s2 =	sadd.s32 s2, s4;
	[dreg:$0x0] =	wrdreg $0x0  }
0xa8: {  	s4 =	sshll.u32 s28, $0x1;
	[dreg:$0x2] =	wrdreg s2  }
0xa9: {  	[dreg:$0x3] =	wrdreg s4  }
0xaa: {  	[dreg:$0x4] =	wrdreg $0xC0  }
0xab: {  	_ =	task [dreg:s6], $0x5FFFF  }
0xac: {  	[dreg:$0x1] =	wrdreg $0xFFFFFFFF  }
0xad: {  	[dreg:$0x0] =	wrdreg $0x60  }
0xae: {  	[dreg:$0x2] =	wrdreg s24  }
0xaf: {  	[dreg:$0x3] =	wrdreg $0x41000  }
0xb0: {  	[dreg:$0x4] =	wrdreg $0x9  }
0xb1: {  	_ =	task.clear_ibuf [dreg:s6], $0x5FFFF;
	_ =	strace $0x90000046  }
0xb2: {  	s29 =	simm.s32 $0x9;
	_ =	strace $0x80000048  }
0xb3: {  	_ =	swait.ge [sflag:s29], $0x1  }
0xb4: {  	[sflag:s29] =	ssyncadd.s32 $0xFFFFFFFF  }
0xb5: {  	_ =	strace $0x90000048  }
0xb6: {  	_ =	sfence  }
0xb7: {  	s30 =	sld [smem:$0x0];
	_ =	sdelay $0x2  }
0xb8: {  	s31 =	sshll.u32 s1, $0xD;
	s1 =	sshrl.u32 s1, $0x2  }
0xb9: {  	s3 =	sand.u32 $0x4000, s31;
	s1 =	sadd.s32 s1, s30  }
0xba: {  	s0 =	sor.u32 s3, s0;
	s1 =	sshll.u32 s1, $0x11  }
0xbb: {  	s0 =	sor.u32 s1, s0  }
0xbc: {  	s0 =	sadd.s32 $0x8F2B, s0  }
0xbd: {  	[sflag:s0] =	ssyncadd.remote.s32 $0x1  }
0xbe: {  	_ =	sfence.sel $0xFFFF  }
0xbf: {  	[dreg:$0x0] =	wrdreg $0xFFFFFFFF;
	(pc) =	sbr.abs _section_cstart, $3  }
0xc0: {  	[dreg:$0x1] =	wrdreg $0xFFFFFFFF  }
0xc1: {  	_ =	task.clear_ibuf [dreg:s6], $0x2FFFF;
	_ =	strace $0x9FFFFFFF  }
0xc2: {  	(tm) =	ssettm $0x7FFFFFFF  }
0xc3: {  	_ =	shalt  }
tec
execute0_lowered:
.L_overlay_start_1:
0x0: {  	(tag) =	ssettag $0x1  }
0x1: {  	s1 =	srdreg.scid  }
0x2: {  	s0 =	stileid.u32;
	s5 =	rddreg [dreg:$0x0]  }
0x3: {  	s2 =	rddreg [dreg:$0x1];
	s3 =	simm.s32 $0x0;
	s13 =	simm.s32 $0x80  }
0x4: {  	s14 =	simm.s32 $0x100;
	s15 =	simm.s32 $0x1;
	s16 =	simm.s32 $0x0  }
0x5: {  	s6 =	sand.u32 $0x1, s1;
	s4 =	smul.u32 $0x2780, s0;
	s1 =	rddreg [dreg:$0x2]  }
0x6: {  	[smem:$0x7FF] =	sst s3;
	s8 =	smul.u32 $0x13C00, s0;
	s31 =	sshll.u32 s0, $0x6  }
0x7: {  	s7 =	smul.u32 $0x27800, s6;
	_ =	strace $0x80000047;
	s6 =	ssub.s32 $0x2, s6  }
0x8: {  	s29 =	sshrl.u32 s8, $0x3;
	s30 =	sshrl.u32 s6, $0x1;
	s12 =	sadd.s32 s8, s2  }
0x9: {  	s7 =	sadd.s32 s4, s7;
	s4 =	sadd.s32 $0x16800, s5;
	s11 =	ssub.s32 s6, s30  }
0xa: {  	s6 =	sor.u32 $0x1C02, s31;
	s9 =	sshrl.u32 s7, $0x3;
	s7 =	sadd.s32 s7, s5  }
0xb: {  	s8 =	smax.u32 s11, $0x1;
	s11 =	sshrl.u32 s12, $0x3;
	s12 =	simm.s32 $0x2  }
0xc: {  	s10 =	sadd.s32 s9, s5;
	s9 =	sadd.s32 s29, s5;
	s7 =	sadd.s32 $0x65200, s7  }
0xd: {  	s5 =	sadd.s32 $0x3DA00, s9;
	s9 =	sadd.s32 $0x2C00, s10;
	s10 =	sadd.s32 $0xCA00, s10  }
.LBB2_1:
0xe: {  	[spmem:s11], [sflag:s6] =	dma.local [hbm:s5], $0x2780  }
0xf: {  	_ =	swait.ge [sflag:s12], $0x2780  }
0x10: {  	[sflag:s12] =	ssyncset.done $0x0  }
0x11: {  	[sflag:s12] =	ssyncadd.s32 $0xFFFFD880  }
0x12: {  	s17 =	sadd.s32 $0x0, s10;
	[bflag:$0x0] =	sbarrier.arrive $0xFFFF  }
0x13: {  	[tilespmem:s3], [sflag:$0x2] =	stream.linear.gather [hbm4b:s17+s3], $0x80, $0x38;
	[tilespmem:$0x17D00] =	vst v63  }
0x14: {  	_ =	swait.ge [sflag:s12], $0x80  }
0x15: {  	[sflag:s12] =	ssyncset.done $0x0  }
0x16: {  	s31 =	sadd.s32 $0x0, s9;
	[sflag:s12] =	ssyncadd.s32 $0xFFFFFF80  }
0x17: {  	[tilespmem:s13], [sflag:$0x2] =	stream.linear.gather [hbm4b:s31+s3], $0x80, $0x38;
	[tilespmem:$0x17D00] =	vst v63  }
0x18: {  	_ =	swait.ge [sflag:s12], $0x80  }
0x19: {  	[sflag:s12] =	ssyncset.done $0x0  }
0x1a: {  	[sflag:s12] =	ssyncadd.s32 $0xFFFFFF80  }
0x1b: {  	[tilespmem:s14], [sflag:$0x1] =	stream.indirect.gather [hbm4b:s4+s13], $0x80, s3, s13, $0xb8;
	[tilespmem:$0x17D00] =	vst v63  }
0x1c: {  	_ =	swait.ge [sflag:s15], $0x4000  }
0x1d: {  	[sflag:s15] =	ssyncset.done $0x0  }
0x1e: {  	[sflag:s15] =	ssyncadd.s32 $0xFFFFC000  }
0x1f: {  	[spmem:s2] =	stream.indirect.scatter.add.f32 [tilespmem:s14], [sflag:$0x2], $0x80, s13, s13, $0xb8;
	[tilespmem:$0x17D00] =	vst v63  }
0x20: {  	_ =	swait.ge [sflag:s12], $0x4000  }
0x21: {  	s18 =	simm.s32 $0x20;
	s17 =	simm.s32 $0x10;
	[sflag:s12] =	ssyncset.done $0x0  }
.LBB2_2:
0x22: {  	s19 =	sadd.s32 s17, s10  }
0x23: {  	[sflag:s12] =	ssyncadd.s32 $0xFFFFC000;
	s20 =	smov.u32 s18;
	s21 =	sadd.s32 $0x10, s18  }
0x24: {  	[tilespmem:s3], [sflag:$0x2] =	stream.linear.gather [hbm4b:s19+s3], $0x80, $0x38;
	[tilespmem:$0x17D00] =	vst v63  }
0x25: {  	p0 =	sne.s32 s18, $0x4E0;
	_ =	swait.ge [sflag:s12], $0x80  }
0x26: {  	[sflag:s12] =	ssyncset.done $0x0  }
0x27: {  	s18 =	sadd.s32 s17, s9;
	s17 =	smov.u32 s20;
	[sflag:s12] =	ssyncadd.s32 $0xFFFFFF80  }
0x28: {  	[tilespmem:s13], [sflag:$0x2] =	stream.linear.gather [hbm4b:s18+s3], $0x80, $0x38;
	[tilespmem:$0x17D00] =	vst v63  }
0x29: {  	_ =	swait.ge [sflag:s12], $0x80  }
0x2a: {  	[sflag:s12] =	ssyncset.done $0x0  }
0x2b: {  	[sflag:s12] =	ssyncadd.s32 $0xFFFFFF80  }
0x2c: {  	[tilespmem:s14], [sflag:$0x1] =	stream.indirect.gather [hbm4b:s4+s13], $0x80, s3, s13, $0xb8;
	[tilespmem:$0x17D00] =	vst v63  }
0x2d: {  	_ =	swait.ge [sflag:s15], $0x4000  }
.Ltmp0:
0x2e: {  	[sflag:s15] =	ssyncset.done $0x0;
	(pc) =	sbr.rel @p0 .LBB2_2-.Ltmp0, $4  }
0x2f: {  	[sflag:s15] =	ssyncadd.s32 $0xFFFFC000  }
0x30: {  	[spmem:s2] =	stream.indirect.scatter.add.f32 [tilespmem:s14], [sflag:$0x2], $0x80, s13, s13, $0xb8;
	[tilespmem:$0x17D00] =	vst v63  }
0x31: {  	_ =	swait.ge [sflag:s12], $0x4000  }
0x32: {  	s18 =	smov.u32 s21;
	[sflag:s12] =	ssyncset.done $0x0  }
0x33: {  	s18 =	sadd.s32 s17, s10;
	[sflag:s12] =	ssyncadd.s32 $0xFFFFC000  }
0x34: {  	[tilespmem:s3], [sflag:$0x2] =	stream.linear.gather [hbm4b:s18+s3], $0x80, $0x38;
	[tilespmem:$0x17D00] =	vst v63  }
0x35: {  	_ =	swait.ge [sflag:s12], $0x80  }
0x36: {  	[sflag:s12] =	ssyncset.done $0x0  }
0x37: {  	s31 =	sadd.s32 s17, s9;
	[sflag:s12] =	ssyncadd.s32 $0xFFFFFF80  }
0x38: {  	[tilespmem:s13], [sflag:$0x2] =	stream.linear.gather [hbm4b:s31+s3], $0x80, $0x38;
	[tilespmem:$0x17D00] =	vst v63  }
0x39: {  	_ =	swait.ge [sflag:s12], $0x80  }
0x3a: {  	[sflag:s12] =	ssyncset.done $0x0  }
0x3b: {  	[sflag:s12] =	ssyncadd.s32 $0xFFFFFF80  }
0x3c: {  	[tilespmem:s14], [sflag:$0x1] =	stream.indirect.gather [hbm4b:s4+s13], $0x80, s3, s13, $0xb8;
	[tilespmem:$0x17D00] =	vst v63  }
0x3d: {  	_ =	swait.ge [sflag:s15], $0x4000  }
0x3e: {  	[sflag:s15] =	ssyncset.done $0x0  }
0x3f: {  	[sflag:s15] =	ssyncadd.s32 $0xFFFFC000  }
0x40: {  	[spmem:s2] =	stream.indirect.scatter.add.f32 [tilespmem:s14], [sflag:$0x2], $0x80, s13, s13, $0xb8;
	[tilespmem:$0x17D00] =	vst v63  }
0x41: {  	_ =	swait.ge [sflag:s12], $0x4000  }
0x42: {  	s16 =	sadd.s32 $0x1, s16;
	[sflag:s12] =	ssyncset.done $0x0  }
0x43: {  	p0 =	sne.s32 s16, s8;
	[sflag:s12] =	ssyncadd.s32 $0xFFFFC000  }
.Ltmp1:
0x44: {  	[bflag:$0x0] =	sbarrier.arrive $0xFFFF;
	(pc) =	sbr.rel @p0 .LBB2_1-.Ltmp1, $4  }
0x45: {  	[hbm:s7], [sflag:s6] =	dma.local [spmem:s11], $0x2780  }
0x46: {  	_ =	swait.ge [sflag:s12], $0x2780  }
0x47: {  	[sflag:s12] =	ssyncset.done $0x0  }
0x48: {  	[sflag:s12] =	ssyncadd.s32 $0xFFFFD880  }
0x49: {  	_ =	sfence.sel $0x180000  }
0x4a: {  	[bflag:$0x0] =	sbarrier.arrive $0xFFFF  }
0x4b: {  	p0 =	sne.s32 s0, $0x0;
	_ =	strace $0x90000047  }
0x4c: {  	s0 =	sadd.s32 @!p0 $0x100000, s1;
	[bflag:$0x2] =	sbarrier.arrive $0xFFFF  }
0x4d: {  	[sflag:s0] =	ssyncadd.tile.s32 @!p0 $0x1;
	_ =	shalt  }
.Lfunc_end2:
_tile_overlayer_lowered:
.L_overlay_start_2:
0x4e: {  	(tag) =	ssettag $0x2  }
0x4f: {  	s0 =	rddreg [dreg:$0x0];
	s2 =	stileid.u32  }
0x50: {  	s1 =	rddreg [dreg:$0x1];
	p0 =	sne.s32 s2, $0x0  }
0x51: {  	s3 =	rddreg [dreg:$0x2];
	[bflag:$0x3] =	sbarrier.arrive $0xFFFF;
	s2 =	simm.s32 @!p0 $0x1C02  }
0x52: {  	[timem:s3], [sflag:s2] =	dma.local @!p0 [hbm:s0], s1  }
0x53: {  	s0 =	simm.s32 @!p0 $0x2  }
0x54: {  	_ =	swait.ge @!p0 [sflag:s0], s1  }
0x55: {  	s1 =	ssub.s32 @!p0 $0x0, s1;
	[sflag:s0] =	ssyncset.done @!p0 $0x0  }
0x56: {  	[sflag:s0] =	ssyncadd.s32 @!p0 s1  }
0x57: {  	[bflag:$0x3] =	sbarrier.arrive $0xFFFF  }
0x58: {  	_ =	shalt  }

</sc_bundles>
